<compile_context>
chip_gen: v7x
topology: tpu7x:2x2x1
jax: 0.10.2.dev20260603
libtpu: 0.0.44.dev20260713+nightly
codegen_flags: <defaults>
</compile_context>

<pallas_src>
import functools

import jax
import jax.numpy as jnp
from jax import lax
from jax.experimental import pallas as pl
from jax.experimental.pallas import tpu as pltpu
from jax.experimental.pallas import tpu_sc as plsc

NC, NS = 2, 16
NW = NC * NS
CH = 128
_EPS = 1e-5


def _gn(x, gamma, beta):
    m = jnp.mean(x, axis=1, keepdims=True)
    xc = x - m
    v = jnp.mean(xc * xc, axis=1, keepdims=True)
    return xc * (lax.rsqrt(v + _EPS) * gamma) + beta


def _dot(a, b):
    return jnp.dot(a, b, preferred_element_type=jnp.float32)


def _node_pre_body(agts_ref, ctx_ref, wq_ref, gq_ref, beq_ref, w0q_ref,
                   w0c_ref, wagt_ref, tabs_ref, aagt_ref):
    x = agts_ref[...]
    qn = jnp.maximum(_gn(_dot(x, wq_ref[...]), gq_ref[...], beq_ref[...]), 0.0)
    aq = _dot(qn, w0q_ref[...])
    ac = _dot(ctx_ref[...], w0c_ref[...])
    qb = lax.bitcast_convert_type(aq, jnp.int32)
    cb = lax.bitcast_convert_type(ac, jnp.int32)
    lowq = lax.shift_right_logical(qb + jnp.int32(0x8000), 16)
    highc = lax.bitwise_and(cb + jnp.int32(0x8000), jnp.int32(-65536))
    tabs_ref[...] = lax.bitwise_or(lowq, highc)
    aagt_ref[...] = _dot(x, wagt_ref[...])


def _edge_body(dist_ref, g_ref, wd0_ref, bd0_ref, wd1_ref, gd1_ref,
               bed1_ref, w0d_ref, gc0_ref, bec0_ref, wc1_ref, out_ref):
    d0 = _dot(dist_ref[...], wd0_ref[...]) + bd0_ref[...]
    d0 = jnp.maximum(d0, 0.0)
    t = jnp.maximum(_gn(_dot(d0, wd1_ref[...]), gd1_ref[...], bed1_ref[...]),
                    0.0)
    w = g_ref[...]
    aq = lax.bitcast_convert_type(lax.shift_left(w, 16), jnp.float32)
    ac = lax.bitcast_convert_type(
        lax.bitwise_and(w, jnp.int32(-65536)), jnp.float32)
    s = _dot(t, w0d_ref[...]) + aq + ac
    u = jnp.maximum(_gn(s, gc0_ref[...], bec0_ref[...]), 0.0)
    out_ref[...] = _dot(u, wc1_ref[...])


def _node_post_body(s2_ref, agts_ref, gn_ref, ben_ref, wl_ref, gl_ref,
                    bel_ref, out_ref):
    a = s2_ref[0] + s2_ref[1]
    a = jnp.maximum(_gn(a, gn_ref[...], ben_ref[...]), 0.0)
    a = _gn(_dot(a, wl_ref[...]), gl_ref[...], bel_ref[...])
    out_ref[...] = jnp.maximum(a + agts_ref[...], 0.0)


def _sc_mesh():
    return plsc.VectorSubcoreMesh(core_axis_name="c", subcore_axis_name="s",
                                  num_cores=NC, num_subcores=NS)


CHG = 64


def _make_gather(nacc, d, e_pad):
    cpt = e_pad // NW // CHG
    ntab = -(-nacc // (NS * 8)) * (NS * 8)
    rpt = ntab // NS

    @functools.partial(
        pl.kernel,
        out_type=jax.ShapeDtypeStruct((e_pad, d), jnp.int32),
        mesh=_sc_mesh(),
        scratch_types=[
            pltpu.VMEM((8, CHG), jnp.int32),
            pltpu.VMEM((8, CHG), jnp.int32),
            pltpu.VMEM((2, CHG, d), jnp.int32),
            pltpu.VMEM((2, CHG, d), jnp.int32),
            pltpu.VMEM((CHG, d), jnp.int32),
            pltpu.VMEM_SHARED((ntab, d), jnp.int32),
            [pltpu.SemaphoreType.DMA] * 4,
            pltpu.SemaphoreType.DMA,
        ],
    )
    def gather_k(tabs_hbm, hi2_hbm, wi2_hbm, g_hbm, hi_v, wi_v, pa, pb, gb,
                 tab, sg, sw):
        core = lax.axis_index("c")
        sid = lax.axis_index("s")
        wid = sid * NC + core
        r0 = sid * rpt
        crow0 = wid * cpt
        ebase = crow0 * CHG
        pltpu.sync_copy(tabs_hbm.at[pl.ds(r0, rpt)], tab.at[pl.ds(r0, rpt)])
        plsc.subcore_barrier()
        dummy = g_hbm.at[pl.ds(0, CHG)]

        def merge(src_a, src_b, dst):
            def mrow(r, carry):
                for l in range(d // 16):
                    sl = pl.ds(16 * l, 16)
                    dst[r, sl] = lax.bitwise_or(
                        lax.bitwise_and(src_a[r, sl], jnp.int32(0xFFFF)),
                        lax.bitwise_and(src_b[r, sl], jnp.int32(-65536)))
                return carry
            lax.fori_loop(0, CHG, mrow, 0)

        def do_chunk(c, buf, row):
            cpa = pltpu.async_copy(tab.at[hi_v.at[row]], pa.at[buf],
                                   sg[2 * buf])
            cpb = pltpu.async_copy(tab.at[wi_v.at[row]], pb.at[buf],
                                   sg[2 * buf + 1])
            return cpa, cpb

        def finish_chunk(c, buf, cpa, cpb, first):
            cpa.wait()
            cpb.wait()

            @pl.when(jnp.logical_not(first))
            def _drain():
                pltpu.make_async_copy(dummy, gb, sw).wait()

            merge(pa.at[buf], pb.at[buf], gb)
            pltpu.async_copy(gb, g_hbm.at[pl.ds(ebase + c * CHG, CHG)], sw)

        def step(j, carry):
            jm = j % 4

            @pl.when(jm == 0)
            def _reload():
                base = crow0 + (j // 4) * 8
                pltpu.sync_copy(hi2_hbm.at[pl.ds(base, 8)], hi_v)
                pltpu.sync_copy(wi2_hbm.at[pl.ds(base, 8)], wi_v)

            c0 = j * 2
            cpa0, cpb0 = do_chunk(c0, 0, 2 * jm)
            cpa1, cpb1 = do_chunk(c0 + 1, 1, 2 * jm + 1)
            finish_chunk(c0, 0, cpa0, cpb0, j == 0)
            finish_chunk(c0 + 1, 1, cpa1, cpb1, False)
            return carry

        lax.fori_loop(0, cpt // 2, step, 0)
        pltpu.make_async_copy(dummy, gb, sw).wait()

    return gather_k


def _make_scatter(d, e_pad, nacc):
    cpt = e_pad // NW // CH
    rpt = nacc // NS

    @functools.partial(
        pl.kernel,
        out_type=jax.ShapeDtypeStruct((NC, nacc, d), jnp.float32),
        mesh=_sc_mesh(),
        scratch_types=[
            pltpu.VMEM((cpt, CH), jnp.int32),
            pltpu.VMEM((2, CH, d), jnp.float32),
            pltpu.VMEM_SHARED((nacc, d), jnp.float32),
            [pltpu.SemaphoreType.DMA] * 2,
            [pltpu.SemaphoreType.DMA] * 2,
        ],
    )
    def scatter_k(c_hbm, hi3d_hbm, init_hbm, out_hbm, hi_v, rows, acc, sr, sw):
        core = lax.axis_index("c")
        sid = lax.axis_index("s")
        wid = sid * NC + core
        ebase = wid * cpt * CH
        r0 = sid * rpt
        pltpu.sync_copy(init_hbm.at[core].at[pl.ds(r0, rpt)],
                        acc.at[pl.ds(r0, rpt)])
        pltpu.sync_copy(hi3d_hbm.at[wid], hi_v)
        plsc.subcore_barrier()
        dummy = c_hbm.at[pl.ds(0, CH)]

        def step(j, carry):
            c0 = j * 2

            @pl.when(j > 0)
            def _drain():
                for b in range(2):
                    pltpu.make_async_copy(dummy, rows.at[b], sw[b]).wait()

            cps = [pltpu.async_copy(
                c_hbm.at[pl.ds(ebase + (c0 + b) * CH, CH)], rows.at[b], sr[b])
                for b in range(2)]
            for b in range(2):
                cps[b].wait()
                pltpu.async_copy(rows.at[b], acc.at[hi_v.at[c0 + b]], sw[b],
                                 add=True)
            return carry

        lax.fori_loop(0, cpt // 2, step, 0)
        for b in range(2):
            pltpu.make_async_copy(dummy, rows.at[b], sw[b]).wait()
        plsc.subcore_barrier()
        pltpu.sync_copy(acc.at[pl.ds(r0, rpt)],
                        out_hbm.at[core].at[pl.ds(r0, rpt)])

    return scatter_k


def kernel(agts, ctx, distance, hi, wi,
           W_dist0, b_dist0, W_dist1, g_dist1, be_dist1,
           W_q, g_q, be_q,
           W_ctx0, g_ctx0, be_ctx0, W_ctx1,
           W_agt, g_norm, be_norm,
           W_lin, g_lin, be_lin):
    N, D = agts.shape
    E = hi.shape[0]
    R = 1024
    e_pad = -(-E // (NW * CH)) * (NW * CH)
    nacc = -(-N // R) * R

    pad = e_pad - E
    hi_p = jnp.concatenate([hi, jnp.full((pad,), N, jnp.int32)])
    wi_p = jnp.concatenate([wi, jnp.zeros((pad,), jnp.int32)])
    dist_p = jnp.concatenate([distance, jnp.zeros((pad, 2), jnp.float32)])
    hi2d = hi_p.reshape(e_pad // CH, CH)
    hi2g = hi_p.reshape(e_pad // CHG, CHG)
    wi2g = wi_p.reshape(e_pad // CHG, CHG)

    row = lambda v: v.reshape(1, D)
    w0dT = W_ctx0[:, :D].T
    w0qT = W_ctx0[:, D:2 * D].T
    w0cT = W_ctx0[:, 2 * D:].T

    full = pl.BlockSpec((D, D), lambda i: (0, 0))
    vec = pl.BlockSpec((1, D), lambda i: (0, 0))
    rblk = pl.BlockSpec((R, D), lambda i: (i, 0))

    tabs, aagt = pl.pallas_call(
        _node_pre_body,
        grid=(nacc // R,),
        in_specs=[rblk, rblk, full, vec, vec, full, full, full],
        out_specs=[rblk, rblk],
        out_shape=[jax.ShapeDtypeStruct((nacc, D), jnp.int32),
                   jax.ShapeDtypeStruct((nacc, D), jnp.float32)],
    )(agts, ctx, W_q.T, row(g_q), row(be_q), w0qT, w0cT, W_agt.T)

    g = _make_gather(nacc, D, e_pad)(tabs, hi2g, wi2g)

    msgs = pl.pallas_call(
        _edge_body,
        grid=(e_pad // R,),
        in_specs=[pl.BlockSpec((R, 2), lambda i: (i, 0)), rblk,
                  pl.BlockSpec((2, D), lambda i: (0, 0)), vec, full, vec,
                  vec, full, vec, vec, full],
        out_specs=rblk,
        out_shape=jax.ShapeDtypeStruct((e_pad, D), jnp.float32),
    )(dist_p, g, W_dist0.T, row(b_dist0), W_dist1.T, row(g_dist1),
      row(be_dist1), w0dT, row(g_ctx0), row(be_ctx0), W_ctx1.T)

    init = jnp.stack([aagt, jnp.zeros_like(aagt)])
    cpt_sc = e_pad // NW // CH
    hi3d = hi2d.reshape(NW, cpt_sc, CH)
    partials = _make_scatter(D, e_pad, nacc)(msgs, hi3d, init)

    out = pl.pallas_call(
        _node_post_body,
        grid=(nacc // R,),
        in_specs=[pl.BlockSpec((NC, R, D), lambda i: (0, i, 0)), rblk, vec,
                  vec, full, vec, vec],
        out_specs=rblk,
        out_shape=jax.ShapeDtypeStruct((N, D), jnp.float32),
    )(partials, agts, row(g_norm), row(be_norm), W_lin.T, row(g_lin),
      row(be_lin))
    return out

# --- scband reference (transcript-rebuilt; emitter-appended) ---
"""Pipeline reference for scband-feature-hard-add-52776558133730 (READ-ONLY COPY).

The authoritative reference and input builder live on the scoring server;
editing this copy changes nothing except your own understanding.
"""

import jax, jax.numpy as jnp
import numpy as np

_EPS = 1e-5

def _gn(x, gamma, beta):
    # GroupNorm with num_groups=1 on [N, C]: normalize over channel dim per row
    m = jnp.mean(x, axis=1, keepdims=True)
    v = jnp.mean((x - m) ** 2, axis=1, keepdims=True)
    return (x - m) / jnp.sqrt(v + _EPS) * gamma + beta

def setup_inputs(seed: int = 0) -> dict:
    key = jax.random.key(seed)
    ks = jax.random.split(key, 24)
    N, E, D = 10000, 160000, 128
    s = 0.05
    inp = {}
    inp['agts'] = jax.random.normal(ks[0], (N, D), jnp.float32)
    inp['ctx'] = jax.random.normal(ks[1], (N, D), jnp.float32)
    inp['distance'] = jax.random.normal(ks[2], (E, 2), jnp.float32)
    inp['hi'] = jax.random.randint(ks[3], (E,), 0, N, jnp.int32)
    inp['wi'] = jax.random.randint(ks[4], (E,), 0, N, jnp.int32)
    # dist branch: Linear(2, 128, bias=True) -> ReLU -> MLP(128,128,no bias,GN,relu)
    inp['W_dist0'] = jax.random.normal(ks[5], (D, 2), jnp.float32) * s
    inp['b_dist0'] = jnp.zeros((D,), jnp.float32)
    inp['W_dist1'] = jax.random.normal(ks[6], (D, D), jnp.float32) * s
    inp['g_dist1'] = jnp.ones((D,), jnp.float32)
    inp['be_dist1'] = jnp.zeros((D,), jnp.float32)
    # query: MLP(128,128,no bias,GN,relu)
    inp['W_q'] = jax.random.normal(ks[7], (D, D), jnp.float32) * s
    inp['g_q'] = jnp.ones((D,), jnp.float32)
    inp['be_q'] = jnp.zeros((D,), jnp.float32)
    # ctx branch: MLP(384,128,no bias,GN,relu) -> Linear(128,128,no bias)
    inp['W_ctx0'] = jax.random.normal(ks[8], (D, 3 * D), jnp.float32) * s
    inp['g_ctx0'] = jnp.ones((D,), jnp.float32)
    inp['be_ctx0'] = jnp.zeros((D,), jnp.float32)
    inp['W_ctx1'] = jax.random.normal(ks[9], (D, D), jnp.float32) * s
    # agt: Linear(128,128,no bias)
    inp['W_agt'] = jax.random.normal(ks[10], (D, D), jnp.float32) * s
    # norm: GroupNorm(1, 128)
    inp['g_norm'] = jnp.ones((D,), jnp.float32)
    inp['be_norm'] = jnp.zeros((D,), jnp.float32)
    # linear: MLP(128,128,no bias,GN,act=None)
    inp['W_lin'] = jax.random.normal(ks[11], (D, D), jnp.float32) * s
    inp['g_lin'] = jnp.ones((D,), jnp.float32)
    inp['be_lin'] = jnp.zeros((D,), jnp.float32)
    return inp

def reference(agts, ctx, distance, hi, wi,
              W_dist0, b_dist0, W_dist1, g_dist1, be_dist1,
              W_q, g_q, be_q,
              W_ctx0, g_ctx0, be_ctx0, W_ctx1,
              W_agt, g_norm, be_norm,
              W_lin, g_lin, be_lin):
    identity = agts
    # dist = self.dist(distance)
    d = jnp.maximum(distance @ W_dist0.T + b_dist0, 0.0)
    d = jnp.maximum(_gn(d @ W_dist1.T, g_dist1, be_dist1), 0.0)
    # query = self.query(agts[hi])
    q = jnp.maximum(_gn(jnp.take(agts, hi, axis=0) @ W_q.T, g_q, be_q), 0.0)
    # ctx = ctx[wi]; cat; self.ctx(...)
    c = jnp.take(ctx, wi, axis=0)
    c = jnp.concatenate((d, q, c), axis=1)
    c = jnp.maximum(_gn(c @ W_ctx0.T, g_ctx0, be_ctx0), 0.0)
    c = c @ W_ctx1.T
    # agts = self.agt(agts); index_add_
    a = agts @ W_agt.T
    a = a.at[hi].add(c)
    a = _gn(a, g_norm, be_norm)
    a = jnp.maximum(a, 0.0)
    # self.linear: MLP act=None -> linear + GN only
    a = _gn(a @ W_lin.T, g_lin, be_lin)
    a = a + identity
    a = jnp.maximum(a, 0.0)
    return a

if __name__ == "__main__":
    import jax
    _d = setup_inputs()
    print(jax.jit(kernel)(*tuple(_d.values())))

</pallas_src>

<mosaic_0001>
#map = affine_map<(d0, d1) -> (0, 0)>
module attributes {stable_mosaic.version = 14 : i64} {
  func.func @gather_k(%arg0: i32, %arg1: i32, %arg2: memref<10240x128xi32, #tpu.memory_space<hbm>>, %arg3: memref<2560x64xi32, #tpu.memory_space<hbm>>, %arg4: memref<2560x64xi32, #tpu.memory_space<hbm>>, %arg5: memref<163840x128xi32, #tpu.memory_space<hbm>>, %arg6: memref<8x64xi32, #tpu.memory_space<vmem>>, %arg7: memref<8x64xi32, #tpu.memory_space<vmem>>, %arg8: memref<2x64x128xi32, #tpu.memory_space<vmem>>, %arg9: memref<2x64x128xi32, #tpu.memory_space<vmem>>, %arg10: memref<64x128xi32, #tpu.memory_space<vmem>>, %arg11: memref<10240x128xi32, #tpu.memory_space<vmem_shared>>, %arg12: memref<!tpu.dma_semaphore, #tpu.memory_space<semaphore_mem>>, %arg13: memref<!tpu.dma_semaphore, #tpu.memory_space<semaphore_mem>>, %arg14: memref<!tpu.dma_semaphore, #tpu.memory_space<semaphore_mem>>, %arg15: memref<!tpu.dma_semaphore, #tpu.memory_space<semaphore_mem>>, %arg16: memref<!tpu.dma_semaphore, #tpu.memory_space<semaphore_mem>>) attributes {dimension_semantics = [#tpu.dimension_semantics<core_parallel>, #tpu.dimension_semantics<subcore_parallel>], iteration_bounds = array<i64: 2, 16>, scalar_prefetch = 0 : i64, scratch_operands = 11 : i64, tpu.core_type = #tpu.core_type<sc_vector_subcore>, window_params = [{transform_indices = #map}, {transform_indices = #map}, {transform_indices = #map}, {transform_indices = #map}]} {
    %mul3A = arith.constant 2 : i32
    %mul3A_0 = arith.muli %arg1, %mul3A : i32
    %add3A = arith.addi %mul3A_0, %arg0 : i32
    %mul3A_1 = arith.constant 640 : i32
    %mul3A_2 = arith.muli %arg1, %mul3A_1 : i32
    %mul3A_3 = arith.constant 80 : i32
    %mul3A_4 = arith.muli %add3A, %mul3A_3 : i32
    %mul3A_5 = arith.constant 64 : i32
    %mul3A_6 = arith.muli %mul3A_4, %mul3A_5 : i32
    "tpu.region"() ({
      %run_scoped3A = tpu.sem_alloc : memref<!tpu.dma_semaphore, #tpu.memory_space<semaphore_mem>>
      %dma_start3A = arith.constant 0 : i32
      %dma_start3A_17 = tpu.memref_slice %arg11[%mul3A_2, %dma_start3A] : memref<10240x128xi32, #tpu.memory_space<vmem_shared>> -> memref<640x128xi32, #tpu.memory_space<vmem_shared>>
      %dma_start3A_18 = arith.constant 0 : i32
      %dma_start3A_19 = tpu.memref_slice %arg2[%mul3A_2, %dma_start3A_18] : memref<10240x128xi32, #tpu.memory_space<hbm>> -> memref<640x128xi32, #tpu.memory_space<hbm>>
      tpu.enqueue_dma source(%dma_start3A_19 : memref<640x128xi32, #tpu.memory_space<hbm>>) target(%dma_start3A_17 : memref<640x128xi32, #tpu.memory_space<vmem_shared>>) target_semaphore(%run_scoped3A : memref<!tpu.dma_semaphore, #tpu.memory_space<semaphore_mem>>)
      %dma_wait3A_20 = arith.constant 0 : i32
      %dma_wait3A_21 = tpu.memref_slice %arg11[%mul3A_2, %dma_wait3A_20] : memref<10240x128xi32, #tpu.memory_space<vmem_shared>> -> memref<640x128xi32, #tpu.memory_space<vmem_shared>>
      %dma_wait3A_22 = arith.constant 0 : i32
      %dma_wait3A_23 = tpu.memref_slice %arg2[%mul3A_2, %dma_wait3A_22] : memref<10240x128xi32, #tpu.memory_space<hbm>> -> memref<640x128xi32, #tpu.memory_space<hbm>>
      tpu.wait_dma2 semaphore(%run_scoped3A : memref<!tpu.dma_semaphore, #tpu.memory_space<semaphore_mem>>) src(%dma_wait3A_23 : memref<640x128xi32, #tpu.memory_space<hbm>>) dst(%dma_wait3A_21 : memref<640x128xi32, #tpu.memory_space<vmem_shared>>)
      tpu.yield
    }) : () -> ()
    %barrier3A = arith.constant 0 : index
    tpu.barrier barrier_id(%barrier3A)
    %scan3A = arith.constant 0 : i32
    %scan3A_7 = arith.constant 0 : i32
    %scan3A_8 = arith.constant 40 : i32
    %scan3A_9 = arith.addi %scan3A_7, %scan3A_8 : i32
    %scan3A_10 = arith.constant 1 : i32
    scf.for %scan3A_17 = %scan3A_7 to %scan3A_9 step %scan3A_10  : i32 {
      %jit3A = arith.constant 4 : i32
      %eq3A = arith.constant 0 : i32
      %eq3A_18 = arith.cmpi eq, %jit3A, %eq3A : i32
      %jit3A_19 = arith.constant 1 : i32
      %select_n3A = arith.select %eq3A_18, %jit3A_19, %jit3A : i32
      %rem3A = arith.remsi %scan3A_17, %select_n3A : i32
      %ne3A = arith.constant 0 : i32
      %ne3A_20 = arith.cmpi ne, %rem3A, %ne3A : i32
      %lt3A = arith.constant 0 : i32
      %lt3A_21 = arith.cmpi slt, %rem3A, %lt3A : i32
      %lt3A_22 = arith.constant 0 : i32
      %lt3A_23 = arith.cmpi slt, %select_n3A, %lt3A_22 : i32
      %ne3A_24 = arith.xori %lt3A_21, %lt3A_23 : i1
      %and3A = arith.andi %ne3A_24, %ne3A_20 : i1
      %add3A_25 = arith.addi %rem3A, %select_n3A : i32
      %select_n3A_26 = arith.select %and3A, %add3A_25, %rem3A : i32
      %eq3A_27 = arith.constant 0 : i32
      %eq3A_28 = arith.cmpi eq, %select_n3A_26, %eq3A_27 : i32
      %convert_element_type3A = arith.extui %eq3A_28 : i1 to i32
      %cond3A = arith.constant 0 : i32
      %cond3A_29 = arith.cmpi ne, %convert_element_type3A, %cond3A : i32
      scf.if %cond3A_29 {
        %jit3A_171 = arith.constant 4 : i32
        %div3A = arith.divsi %scan3A_17, %jit3A_171 : i32
        %sign3A = arith.constant 0 : i32
        %sign3A_172 = arith.cmpi sgt, %scan3A_17, %sign3A : i32
        %sign3A_173 = arith.extui %sign3A_172 : i1 to i32
        %sign3A_174 = arith.constant 0 : i32
        %sign3A_175 = arith.cmpi slt, %scan3A_17, %sign3A_174 : i32
        %sign3A_176 = arith.extui %sign3A_175 : i1 to i32
        %sign3A_177 = arith.subi %sign3A_173, %sign3A_176 : i32
        %sign3A_178 = arith.constant 0 : i32
        %sign3A_179 = arith.cmpi sgt, %jit3A_171, %sign3A_178 : i32
        %sign3A_180 = arith.extui %sign3A_179 : i1 to i32
        %sign3A_181 = arith.constant 0 : i32
        %sign3A_182 = arith.cmpi slt, %jit3A_171, %sign3A_181 : i32
        %sign3A_183 = arith.extui %sign3A_182 : i1 to i32
        %sign3A_184 = arith.subi %sign3A_180, %sign3A_183 : i32
        %ne3A_185 = arith.cmpi ne, %sign3A_177, %sign3A_184 : i32
        %rem3A_186 = arith.remsi %scan3A_17, %jit3A_171 : i32
        %ne3A_187 = arith.constant 0 : i32
        %ne3A_188 = arith.cmpi ne, %rem3A_186, %ne3A_187 : i32
        %and3A_189 = arith.andi %ne3A_185, %ne3A_188 : i1
        %sub3A = arith.constant 1 : i32
        %sub3A_190 = arith.subi %div3A, %sub3A : i32
        %select_n3A_191 = arith.select %and3A_189, %sub3A_190, %div3A : i32
        %mul3A_192 = arith.constant 8 : i32
        %mul3A_193 = arith.muli %select_n3A_191, %mul3A_192 : i32
        %add3A_194 = arith.addi %mul3A_4, %mul3A_193 : i32
        "tpu.region"() ({
          %run_scoped3A = tpu.sem_alloc : memref<!tpu.dma_semaphore, #tpu.memory_space<semaphore_mem>>
          %dma_start3A_195 = arith.constant 0 : i32
          %dma_start3A_196 = tpu.memref_slice %arg3[%add3A_194, %dma_start3A_195] : memref<2560x64xi32, #tpu.memory_space<hbm>> -> memref<8x64xi32, #tpu.memory_space<hbm>>
          %dma_start3A_197 = arith.constant 0 : i32
          %dma_start3A_198 = tpu.memref_slice %arg3[%add3A_194, %dma_start3A_197] : memref<2560x64xi32, #tpu.memory_space<hbm>> -> memref<8x64xi32, #tpu.memory_space<hbm>>
          tpu.enqueue_dma source(%dma_start3A_198 : memref<8x64xi32, #tpu.memory_space<hbm>>) target(%arg6 : memref<8x64xi32, #tpu.memory_space<vmem>>) target_semaphore(%run_scoped3A : memref<!tpu.dma_semaphore, #tpu.memory_space<semaphore_mem>>)
          %dma_wait3A_199 = arith.constant 0 : i32
          %dma_wait3A_200 = tpu.memref_slice %arg3[%add3A_194, %dma_wait3A_199] : memref<2560x64xi32, #tpu.memory_space<hbm>> -> memref<8x64xi32, #tpu.memory_space<hbm>>
          %dma_wait3A_201 = arith.constant 0 : i32
          %dma_wait3A_202 = tpu.memref_slice %arg3[%add3A_194, %dma_wait3A_201] : memref<2560x64xi32, #tpu.memory_space<hbm>> -> memref<8x64xi32, #tpu.memory_space<hbm>>
          tpu.wait_dma2 semaphore(%run_scoped3A : memref<!tpu.dma_semaphore, #tpu.memory_space<semaphore_mem>>) src(%dma_wait3A_202 : memref<8x64xi32, #tpu.memory_space<hbm>>) dst(%arg6 : memref<8x64xi32, #tpu.memory_space<vmem>>)
          tpu.yield
        }) : () -> ()
        "tpu.region"() ({
          %run_scoped3A = tpu.sem_alloc : memref<!tpu.dma_semaphore, #tpu.memory_space<semaphore_mem>>
          %dma_start3A_195 = arith.constant 0 : i32
          %dma_start3A_196 = tpu.memref_slice %arg4[%add3A_194, %dma_start3A_195] : memref<2560x64xi32, #tpu.memory_space<hbm>> -> memref<8x64xi32, #tpu.memory_space<hbm>>
          %dma_start3A_197 = arith.constant 0 : i32
          %dma_start3A_198 = tpu.memref_slice %arg4[%add3A_194, %dma_start3A_197] : memref<2560x64xi32, #tpu.memory_space<hbm>> -> memref<8x64xi32, #tpu.memory_space<hbm>>
          tpu.enqueue_dma source(%dma_start3A_198 : memref<8x64xi32, #tpu.memory_space<hbm>>) target(%arg7 : memref<8x64xi32, #tpu.memory_space<vmem>>) target_semaphore(%run_scoped3A : memref<!tpu.dma_semaphore, #tpu.memory_space<semaphore_mem>>)
          %dma_wait3A_199 = arith.constant 0 : i32
          %dma_wait3A_200 = tpu.memref_slice %arg4[%add3A_194, %dma_wait3A_199] : memref<2560x64xi32, #tpu.memory_space<hbm>> -> memref<8x64xi32, #tpu.memory_space<hbm>>
          %dma_wait3A_201 = arith.constant 0 : i32
          %dma_wait3A_202 = tpu.memref_slice %arg4[%add3A_194, %dma_wait3A_201] : memref<2560x64xi32, #tpu.memory_space<hbm>> -> memref<8x64xi32, #tpu.memory_space<hbm>>
          tpu.wait_dma2 semaphore(%run_scoped3A : memref<!tpu.dma_semaphore, #tpu.memory_space<semaphore_mem>>) src(%dma_wait3A_202 : memref<8x64xi32, #tpu.memory_space<hbm>>) dst(%arg7 : memref<8x64xi32, #tpu.memory_space<vmem>>)
          tpu.yield
        }) : () -> ()
      } else {
      }
      %mul3A_30 = arith.constant 2 : i32
      %mul3A_31 = arith.muli %scan3A_17, %mul3A_30 : i32
      %mul3A_32 = arith.constant 2 : i32
      %mul3A_33 = arith.muli %mul3A_32, %select_n3A_26 : i32
      %dma_start3A = arith.constant 0 : i32
      %dma_start3A_34 = arith.constant 0 : i32
      %dma_start3A_35 = arith.constant 0 : i32
      %dma_start3A_36 = tpu.memref_slice %arg8[%dma_start3A, %dma_start3A_34, %dma_start3A_35] : memref<2x64x128xi32, #tpu.memory_space<vmem>> -> memref<1x64x128xi32, #tpu.memory_space<vmem>>
      %dma_start3A_37 = tpu.memref_squeeze %dma_start3A_36 : memref<1x64x128xi32, #tpu.memory_space<vmem>> -> memref<64x128xi32, #tpu.memory_space<vmem>>
      %dma_start3A_38 = arith.constant 0 : i32
      %dma_start3A_39 = tpu.memref_slice %arg6[%mul3A_33, %dma_start3A_38] : memref<8x64xi32, #tpu.memory_space<vmem>> -> memref<1x64xi32, #tpu.memory_space<vmem>>
      %dma_start3A_40 = tpu.memref_squeeze %dma_start3A_39 : memref<1x64xi32, #tpu.memory_space<vmem>> -> memref<64xi32, #tpu.memory_space<vmem>>
      %dma_start3A_41 = arith.constant 0 : i32
      %dma_start3A_42 = arith.constant 0 : i32
      %dma_start3A_43 = tpu.memref_slice %arg11[%dma_start3A_41, %dma_start3A_42] : memref<10240x128xi32, #tpu.memory_space<vmem_shared>> -> memref<10240x128xi32, #tpu.memory_space<vmem_shared>>
      tpu.enqueue_indirect_dma source(%dma_start3A_43 : memref<10240x128xi32, #tpu.memory_space<vmem_shared>>) target(%dma_start3A_37 : memref<64x128xi32, #tpu.memory_space<vmem>>) offsets(%dma_start3A_40 : memref<64xi32, #tpu.memory_space<vmem>>) semaphore(%arg12 : memref<!tpu.dma_semaphore, #tpu.memory_space<semaphore_mem>>)
      %dma_start3A_44 = arith.constant 0 : i32
      %dma_start3A_45 = arith.constant 0 : i32
      %dma_start3A_46 = arith.constant 0 : i32
      %dma_start3A_47 = tpu.memref_slice %arg9[%dma_start3A_44, %dma_start3A_45, %dma_start3A_46] : memref<2x64x128xi32, #tpu.memory_space<vmem>> -> memref<1x64x128xi32, #tpu.memory_space<vmem>>
      %dma_start3A_48 = tpu.memref_squeeze %dma_start3A_47 : memref<1x64x128xi32, #tpu.memory_space<vmem>> -> memref<64x128xi32, #tpu.memory_space<vmem>>
      %dma_start3A_49 = arith.constant 0 : i32
      %dma_start3A_50 = tpu.memref_slice %arg7[%mul3A_33, %dma_start3A_49] : memref<8x64xi32, #tpu.memory_space<vmem>> -> memref<1x64xi32, #tpu.memory_space<vmem>>
      %dma_start3A_51 = tpu.memref_squeeze %dma_start3A_50 : memref<1x64xi32, #tpu.memory_space<vmem>> -> memref<64xi32, #tpu.memory_space<vmem>>
      %dma_start3A_52 = arith.constant 0 : i32
      %dma_start3A_53 = arith.constant 0 : i32
      %dma_start3A_54 = tpu.memref_slice %arg11[%dma_start3A_52, %dma_start3A_53] : memref<10240x128xi32, #tpu.memory_space<vmem_shared>> -> memref<10240x128xi32, #tpu.memory_space<vmem_shared>>
      tpu.enqueue_indirect_dma source(%dma_start3A_54 : memref<10240x128xi32, #tpu.memory_space<vmem_shared>>) target(%dma_start3A_48 : memref<64x128xi32, #tpu.memory_space<vmem>>) offsets(%dma_start3A_51 : memref<64xi32, #tpu.memory_space<vmem>>) semaphore(%arg13 : memref<!tpu.dma_semaphore, #tpu.memory_space<semaphore_mem>>)
      %add3A_55 = arith.constant 1 : i32
      %add3A_56 = arith.addi %mul3A_31, %add3A_55 : i32
      %mul3A_57 = arith.constant 2 : i32
      %mul3A_58 = arith.muli %mul3A_57, %select_n3A_26 : i32
      %add3A_59 = arith.constant 1 : i32
      %add3A_60 = arith.addi %mul3A_58, %add3A_59 : i32
      %dma_start3A_61 = arith.constant 1 : i32
      %dma_start3A_62 = arith.constant 0 : i32
      %dma_start3A_63 = arith.constant 0 : i32
      %dma_start3A_64 = tpu.memref_slice %arg8[%dma_start3A_61, %dma_start3A_62, %dma_start3A_63] : memref<2x64x128xi32, #tpu.memory_space<vmem>> -> memref<1x64x128xi32, #tpu.memory_space<vmem>>
      %dma_start3A_65 = tpu.memref_squeeze %dma_start3A_64 : memref<1x64x128xi32, #tpu.memory_space<vmem>> -> memref<64x128xi32, #tpu.memory_space<vmem>>
      %dma_start3A_66 = arith.constant 0 : i32
      %dma_start3A_67 = tpu.memref_slice %arg6[%add3A_60, %dma_start3A_66] : memref<8x64xi32, #tpu.memory_space<vmem>> -> memref<1x64xi32, #tpu.memory_space<vmem>>
      %dma_start3A_68 = tpu.memref_squeeze %dma_start3A_67 : memref<1x64xi32, #tpu.memory_space<vmem>> -> memref<64xi32, #tpu.memory_space<vmem>>
      %dma_start3A_69 = arith.constant 0 : i32
      %dma_start3A_70 = arith.constant 0 : i32
      %dma_start3A_71 = tpu.memref_slice %arg11[%dma_start3A_69, %dma_start3A_70] : memref<10240x128xi32, #tpu.memory_space<vmem_shared>> -> memref<10240x128xi32, #tpu.memory_space<vmem_shared>>
      tpu.enqueue_indirect_dma source(%dma_start3A_71 : memref<10240x128xi32, #tpu.memory_space<vmem_shared>>) target(%dma_start3A_65 : memref<64x128xi32, #tpu.memory_space<vmem>>) offsets(%dma_start3A_68 : memref<64xi32, #tpu.memory_space<vmem>>) semaphore(%arg14 : memref<!tpu.dma_semaphore, #tpu.memory_space<semaphore_mem>>)
      %dma_start3A_72 = arith.constant 1 : i32
      %dma_start3A_73 = arith.constant 0 : i32
      %dma_start3A_74 = arith.constant 0 : i32
      %dma_start3A_75 = tpu.memref_slice %arg9[%dma_start3A_72, %dma_start3A_73, %dma_start3A_74] : memref<2x64x128xi32, #tpu.memory_space<vmem>> -> memref<1x64x128xi32, #tpu.memory_space<vmem>>
      %dma_start3A_76 = tpu.memref_squeeze %dma_start3A_75 : memref<1x64x128xi32, #tpu.memory_space<vmem>> -> memref<64x128xi32, #tpu.memory_space<vmem>>
      %dma_start3A_77 = arith.constant 0 : i32
      %dma_start3A_78 = tpu.memref_slice %arg7[%add3A_60, %dma_start3A_77] : memref<8x64xi32, #tpu.memory_space<vmem>> -> memref<1x64xi32, #tpu.memory_space<vmem>>
      %dma_start3A_79 = tpu.memref_squeeze %dma_start3A_78 : memref<1x64xi32, #tpu.memory_space<vmem>> -> memref<64xi32, #tpu.memory_space<vmem>>
      %dma_start3A_80 = arith.constant 0 : i32
      %dma_start3A_81 = arith.constant 0 : i32
      %dma_start3A_82 = tpu.memref_slice %arg11[%dma_start3A_80, %dma_start3A_81] : memref<10240x128xi32, #tpu.memory_space<vmem_shared>> -> memref<10240x128xi32, #tpu.memory_space<vmem_shared>>
      tpu.enqueue_indirect_dma source(%dma_start3A_82 : memref<10240x128xi32, #tpu.memory_space<vmem_shared>>) target(%dma_start3A_76 : memref<64x128xi32, #tpu.memory_space<vmem>>) offsets(%dma_start3A_79 : memref<64xi32, #tpu.memory_space<vmem>>) semaphore(%arg15 : memref<!tpu.dma_semaphore, #tpu.memory_space<semaphore_mem>>)
      %eq3A_83 = arith.constant 0 : i32
      %eq3A_84 = arith.cmpi eq, %scan3A_17, %eq3A_83 : i32
      %dma_wait3A_85 = arith.constant 0 : i32
      %dma_wait3A_86 = arith.constant 0 : i32
      %dma_wait3A_87 = arith.constant 0 : i32
      %dma_wait3A_88 = tpu.memref_slice %arg8[%dma_wait3A_85, %dma_wait3A_86, %dma_wait3A_87] : memref<2x64x128xi32, #tpu.memory_space<vmem>> -> memref<1x64x128xi32, #tpu.memory_space<vmem>>
      %dma_wait3A_89 = tpu.memref_squeeze %dma_wait3A_88 : memref<1x64x128xi32, #tpu.memory_space<vmem>> -> memref<64x128xi32, #tpu.memory_space<vmem>>
      %dma_wait3A_90 = arith.constant 0 : i32
      %dma_wait3A_91 = tpu.memref_slice %arg6[%mul3A_33, %dma_wait3A_90] : memref<8x64xi32, #tpu.memory_space<vmem>> -> memref<1x64xi32, #tpu.memory_space<vmem>>
      %dma_wait3A_92 = tpu.memref_squeeze %dma_wait3A_91 : memref<1x64xi32, #tpu.memory_space<vmem>> -> memref<64xi32, #tpu.memory_space<vmem>>
      %dma_wait3A_93 = arith.constant 0 : i32
      %dma_wait3A_94 = arith.constant 0 : i32
      %dma_wait3A_95 = tpu.memref_slice %arg11[%dma_wait3A_93, %dma_wait3A_94] : memref<10240x128xi32, #tpu.memory_space<vmem_shared>> -> memref<10240x128xi32, #tpu.memory_space<vmem_shared>>
      tpu.wait_indirect_dma semaphore(%arg12 : memref<!tpu.dma_semaphore, #tpu.memory_space<semaphore_mem>>) src(%dma_wait3A_95 : memref<10240x128xi32, #tpu.memory_space<vmem_shared>>) dst(%dma_wait3A_89 : memref<64x128xi32, #tpu.memory_space<vmem>>)
      %dma_wait3A_96 = arith.constant 0 : i32
      %dma_wait3A_97 = arith.constant 0 : i32
      %dma_wait3A_98 = arith.constant 0 : i32
      %dma_wait3A_99 = tpu.memref_slice %arg9[%dma_wait3A_96, %dma_wait3A_97, %dma_wait3A_98] : memref<2x64x128xi32, #tpu.memory_space<vmem>> -> memref<1x64x128xi32, #tpu.memory_space<vmem>>
      %dma_wait3A_100 = tpu.memref_squeeze %dma_wait3A_99 : memref<1x64x128xi32, #tpu.memory_space<vmem>> -> memref<64x128xi32, #tpu.memory_space<vmem>>
      %dma_wait3A_101 = arith.constant 0 : i32
      %dma_wait3A_102 = tpu.memref_slice %arg7[%mul3A_33, %dma_wait3A_101] : memref<8x64xi32, #tpu.memory_space<vmem>> -> memref<1x64xi32, #tpu.memory_space<vmem>>
      %dma_wait3A_103 = tpu.memref_squeeze %dma_wait3A_102 : memref<1x64xi32, #tpu.memory_space<vmem>> -> memref<64xi32, #tpu.memory_space<vmem>>
      %dma_wait3A_104 = arith.constant 0 : i32
      %dma_wait3A_105 = arith.constant 0 : i32
      %dma_wait3A_106 = tpu.memref_slice %arg11[%dma_wait3A_104, %dma_wait3A_105] : memref<10240x128xi32, #tpu.memory_space<vmem_shared>> -> memref<10240x128xi32, #tpu.memory_space<vmem_shared>>
      tpu.wait_indirect_dma semaphore(%arg13 : memref<!tpu.dma_semaphore, #tpu.memory_space<semaphore_mem>>) src(%dma_wait3A_106 : memref<10240x128xi32, #tpu.memory_space<vmem_shared>>) dst(%dma_wait3A_100 : memref<64x128xi32, #tpu.memory_space<vmem>>)
      %not3A = arith.constant true
      %not3A_107 = arith.xori %eq3A_84, %not3A : i1
      %convert_element_type3A_108 = arith.extui %not3A_107 : i1 to i32
      %cond3A_109 = arith.constant 0 : i32
      %cond3A_110 = arith.cmpi ne, %convert_element_type3A_108, %cond3A_109 : i32
      scf.if %cond3A_110 {
        %dma_wait3A_171 = arith.constant 0 : i32
        %dma_wait3A_172 = arith.constant 0 : i32
        %dma_wait3A_173 = tpu.memref_slice %arg5[%dma_wait3A_171, %dma_wait3A_172] : memref<163840x128xi32, #tpu.memory_space<hbm>> -> memref<64x128xi32, #tpu.memory_space<hbm>>
        %dma_wait3A_174 = arith.constant 0 : i32
        %dma_wait3A_175 = arith.constant 0 : i32
        %dma_wait3A_176 = tpu.memref_slice %arg5[%dma_wait3A_174, %dma_wait3A_175] : memref<163840x128xi32, #tpu.memory_space<hbm>> -> memref<64x128xi32, #tpu.memory_space<hbm>>
        tpu.wait_dma2 semaphore(%arg16 : memref<!tpu.dma_semaphore, #tpu.memory_space<semaphore_mem>>) src(%dma_wait3A_176 : memref<64x128xi32, #tpu.memory_space<hbm>>) dst(%arg10 : memref<64x128xi32, #tpu.memory_space<vmem>>)
      } else {
      }
      %scan3A_111 = arith.constant 0 : i32
      %scan3A_112 = arith.constant 0 : i32
      %scan3A_113 = arith.constant 0 : i32
      %scan3A_114 = arith.constant 0 : i32
      %scan3A_115 = arith.constant 64 : i32
      %scan3A_116 = arith.addi %scan3A_114, %scan3A_115 : i32
      %scan3A_117 = arith.constant 1 : i32
      scf.for %scan3A_171 = %scan3A_114 to %scan3A_116 step %scan3A_117  : i32 {
        %get3A = arith.constant 0 : i32
        %get3A_172 = arith.constant 0 : i32
        %get3A_173 = tpu.memref_slice %arg8[%scan3A_112, %get3A, %get3A_172] : memref<2x64x128xi32, #tpu.memory_space<vmem>> -> memref<1x64x128xi32, #tpu.memory_space<vmem>>
        %get3A_174 = tpu.memref_squeeze %get3A_173 : memref<1x64x128xi32, #tpu.memory_space<vmem>> -> memref<64x128xi32, #tpu.memory_space<vmem>>
        %get3A_175 = arith.index_cast %scan3A_171 : i32 to index
        %get3A_176 = arith.constant 0 : index
        %get3A_177 = tpu.vector_load %get3A_174[%get3A_175, %get3A_176] {strides = array<i32>} : memref<64x128xi32, #tpu.memory_space<vmem>>, vector<1x16xi32>,
        %get3A_178 = vector.shape_cast %get3A_177 : vector<1x16xi32> to vector<16xi32>
        %and3A_179 = arith.constant 65535 : i32
        %and3A_180 = vector.broadcast %and3A_179 : i32 to vector<16xi32>
        %and3A_181 = arith.andi %get3A_178, %and3A_180 : vector<16xi32>
        %get3A_182 = arith.constant 0 : i32
        %get3A_183 = arith.constant 0 : i32
        %get3A_184 = tpu.memref_slice %arg9[%scan3A_113, %get3A_182, %get3A_183] : memref<2x64x128xi32, #tpu.memory_space<vmem>> -> memref<1x64x128xi32, #tpu.memory_space<vmem>>
        %get3A_185 = tpu.memref_squeeze %get3A_184 : memref<1x64x128xi32, #tpu.memory_space<vmem>> -> memref<64x128xi32, #tpu.memory_space<vmem>>
        %get3A_186 = arith.index_cast %scan3A_171 : i32 to index
        %get3A_187 = arith.constant 0 : index
        %get3A_188 = tpu.vector_load %get3A_185[%get3A_186, %get3A_187] {strides = array<i32>} : memref<64x128xi32, #tpu.memory_space<vmem>>, vector<1x16xi32>,
        %get3A_189 = vector.shape_cast %get3A_188 : vector<1x16xi32> to vector<16xi32>
        %and3A_190 = arith.constant -65536 : i32
        %and3A_191 = vector.broadcast %and3A_190 : i32 to vector<16xi32>
        %and3A_192 = arith.andi %get3A_189, %and3A_191 : vector<16xi32>
        %or3A = arith.ori %and3A_181, %and3A_192 : vector<16xi32>
        %swap3A = arith.index_cast %scan3A_171 : i32 to index
        %swap3A_193 = arith.constant 0 : index
        %swap3A_194 = tpu.vector_load %arg10[%swap3A, %swap3A_193] {strides = array<i32>} : memref<64x128xi32, #tpu.memory_space<vmem>>, vector<1x16xi32>,
        %swap3A_195 = vector.shape_cast %swap3A_194 : vector<1x16xi32> to vector<16xi32>
        %swap3A_196 = vector.shape_cast %or3A : vector<16xi32> to vector<1x16xi32>
        tpu.vector_store %arg10[%swap3A, %swap3A_193], %swap3A_196 {strides = array<i32>} : memref<64x128xi32, #tpu.memory_space<vmem>>, vector<1x16xi32>,
        %get3A_197 = arith.constant 0 : i32
        %get3A_198 = arith.constant 0 : i32
        %get3A_199 = tpu.memref_slice %arg8[%scan3A_112, %get3A_197, %get3A_198] : memref<2x64x128xi32, #tpu.memory_space<vmem>> -> memref<1x64x128xi32, #tpu.memory_space<vmem>>
        %get3A_200 = tpu.memref_squeeze %get3A_199 : memref<1x64x128xi32, #tpu.memory_space<vmem>> -> memref<64x128xi32, #tpu.memory_space<vmem>>
        %get3A_201 = arith.index_cast %scan3A_171 : i32 to index
        %get3A_202 = arith.constant 16 : index
        %get3A_203 = tpu.vector_load %get3A_200[%get3A_201, %get3A_202] {strides = array<i32>} : memref<64x128xi32, #tpu.memory_space<vmem>>, vector<1x16xi32>,
        %get3A_204 = vector.shape_cast %get3A_203 : vector<1x16xi32> to vector<16xi32>
        %and3A_205 = arith.constant 65535 : i32
        %and3A_206 = vector.broadcast %and3A_205 : i32 to vector<16xi32>
        %and3A_207 = arith.andi %get3A_204, %and3A_206 : vector<16xi32>
        %get3A_208 = arith.constant 0 : i32
        %get3A_209 = arith.constant 0 : i32
        %get3A_210 = tpu.memref_slice %arg9[%scan3A_113, %get3A_208, %get3A_209] : memref<2x64x128xi32, #tpu.memory_space<vmem>> -> memref<1x64x128xi32, #tpu.memory_space<vmem>>
        %get3A_211 = tpu.memref_squeeze %get3A_210 : memref<1x64x128xi32, #tpu.memory_space<vmem>> -> memref<64x128xi32, #tpu.memory_space<vmem>>
        %get3A_212 = arith.index_cast %scan3A_171 : i32 to index
        %get3A_213 = arith.constant 16 : index
        %get3A_214 = tpu.vector_load %get3A_211[%get3A_212, %get3A_213] {strides = array<i32>} : memref<64x128xi32, #tpu.memory_space<vmem>>, vector<1x16xi32>,
        %get3A_215 = vector.shape_cast %get3A_214 : vector<1x16xi32> to vector<16xi32>
        %and3A_216 = arith.constant -65536 : i32
        %and3A_217 = vector.broadcast %and3A_216 : i32 to vector<16xi32>
        %and3A_218 = arith.andi %get3A_215, %and3A_217 : vector<16xi32>
        %or3A_219 = arith.ori %and3A_207, %and3A_218 : vector<16xi32>
        %swap3A_220 = arith.index_cast %scan3A_171 : i32 to index
        %swap3A_221 = arith.constant 16 : index
        %swap3A_222 = tpu.vector_load %arg10[%swap3A_220, %swap3A_221] {strides = array<i32>} : memref<64x128xi32, #tpu.memory_space<vmem>>, vector<1x16xi32>,
        %swap3A_223 = vector.shape_cast %swap3A_222 : vector<1x16xi32> to vector<16xi32>
        %swap3A_224 = vector.shape_cast %or3A_219 : vector<16xi32> to vector<1x16xi32>
        tpu.vector_store %arg10[%swap3A_220, %swap3A_221], %swap3A_224 {strides = array<i32>} : memref<64x128xi32, #tpu.memory_space<vmem>>, vector<1x16xi32>,
        %get3A_225 = arith.constant 0 : i32
        %get3A_226 = arith.constant 0 : i32
        %get3A_227 = tpu.memref_slice %arg8[%scan3A_112, %get3A_225, %get3A_226] : memref<2x64x128xi32, #tpu.memory_space<vmem>> -> memref<1x64x128xi32, #tpu.memory_space<vmem>>
        %get3A_228 = tpu.memref_squeeze %get3A_227 : memref<1x64x128xi32, #tpu.memory_space<vmem>> -> memref<64x128xi32, #tpu.memory_space<vmem>>
        %get3A_229 = arith.index_cast %scan3A_171 : i32 to index
        %get3A_230 = arith.constant 32 : index
        %get3A_231 = tpu.vector_load %get3A_228[%get3A_229, %get3A_230] {strides = array<i32>} : memref<64x128xi32, #tpu.memory_space<vmem>>, vector<1x16xi32>,
        %get3A_232 = vector.shape_cast %get3A_231 : vector<1x16xi32> to vector<16xi32>
        %and3A_233 = arith.constant 65535 : i32
        %and3A_234 = vector.broadcast %and3A_233 : i32 to vector<16xi32>
        %and3A_235 = arith.andi %get3A_232, %and3A_234 : vector<16xi32>
        %get3A_236 = arith.constant 0 : i32
        %get3A_237 = arith.constant 0 : i32
        %get3A_238 = tpu.memref_slice %arg9[%scan3A_113, %get3A_236, %get3A_237] : memref<2x64x128xi32, #tpu.memory_space<vmem>> -> memref<1x64x128xi32, #tpu.memory_space<vmem>>
        %get3A_239 = tpu.memref_squeeze %get3A_238 : memref<1x64x128xi32, #tpu.memory_space<vmem>> -> memref<64x128xi32, #tpu.memory_space<vmem>>
        %get3A_240 = arith.index_cast %scan3A_171 : i32 to index
        %get3A_241 = arith.constant 32 : index
        %get3A_242 = tpu.vector_load %get3A_239[%get3A_240, %get3A_241] {strides = array<i32>} : memref<64x128xi32, #tpu.memory_space<vmem>>, vector<1x16xi32>,
        %get3A_243 = vector.shape_cast %get3A_242 : vector<1x16xi32> to vector<16xi32>
        %and3A_244 = arith.constant -65536 : i32
        %and3A_245 = vector.broadcast %and3A_244 : i32 to vector<16xi32>
        %and3A_246 = arith.andi %get3A_243, %and3A_245 : vector<16xi32>
        %or3A_247 = arith.ori %and3A_235, %and3A_246 : vector<16xi32>
        %swap3A_248 = arith.index_cast %scan3A_171 : i32 to index
        %swap3A_249 = arith.constant 32 : index
        %swap3A_250 = tpu.vector_load %arg10[%swap3A_248, %swap3A_249] {strides = array<i32>} : memref<64x128xi32, #tpu.memory_space<vmem>>, vector<1x16xi32>,
        %swap3A_251 = vector.shape_cast %swap3A_250 : vector<1x16xi32> to vector<16xi32>
        %swap3A_252 = vector.shape_cast %or3A_247 : vector<16xi32> to vector<1x16xi32>
        tpu.vector_store %arg10[%swap3A_248, %swap3A_249], %swap3A_252 {strides = array<i32>} : memref<64x128xi32, #tpu.memory_space<vmem>>, vector<1x16xi32>,
        %get3A_253 = arith.constant 0 : i32
        %get3A_254 = arith.constant 0 : i32
        %get3A_255 = tpu.memref_slice %arg8[%scan3A_112, %get3A_253, %get3A_254] : memref<2x64x128xi32, #tpu.memory_space<vmem>> -> memref<1x64x128xi32, #tpu.memory_space<vmem>>
        %get3A_256 = tpu.memref_squeeze %get3A_255 : memref<1x64x128xi32, #tpu.memory_space<vmem>> -> memref<64x128xi32, #tpu.memory_space<vmem>>
        %get3A_257 = arith.index_cast %scan3A_171 : i32 to index
        %get3A_258 = arith.constant 48 : index
        %get3A_259 = tpu.vector_load %get3A_256[%get3A_257, %get3A_258] {strides = array<i32>} : memref<64x128xi32, #tpu.memory_space<vmem>>, vector<1x16xi32>,
        %get3A_260 = vector.shape_cast %get3A_259 : vector<1x16xi32> to vector<16xi32>
        %and3A_261 = arith.constant 65535 : i32
        %and3A_262 = vector.broadcast %and3A_261 : i32 to vector<16xi32>
        %and3A_263 = arith.andi %get3A_260, %and3A_262 : vector<16xi32>
        %get3A_264 = arith.constant 0 : i32
        %get3A_265 = arith.constant 0 : i32
        %get3A_266 = tpu.memref_slice %arg9[%scan3A_113, %get3A_264, %get3A_265] : memref<2x64x128xi32, #tpu.memory_space<vmem>> -> memref<1x64x128xi32, #tpu.memory_space<vmem>>
        %get3A_267 = tpu.memref_squeeze %get3A_266 : memref<1x64x128xi32, #tpu.memory_space<vmem>> -> memref<64x128xi32, #tpu.memory_space<vmem>>
        %get3A_268 = arith.index_cast %scan3A_171 : i32 to index
        %get3A_269 = arith.constant 48 : index
        %get3A_270 = tpu.vector_load %get3A_267[%get3A_268, %get3A_269] {strides = array<i32>} : memref<64x128xi32, #tpu.memory_space<vmem>>, vector<1x16xi32>,
        %get3A_271 = vector.shape_cast %get3A_270 : vector<1x16xi32> to vector<16xi32>
        %and3A_272 = arith.constant -65536 : i32
        %and3A_273 = vector.broadcast %and3A_272 : i32 to vector<16xi32>
        %and3A_274 = arith.andi %get3A_271, %and3A_273 : vector<16xi32>
        %or3A_275 = arith.ori %and3A_263, %and3A_274 : vector<16xi32>
        %swap3A_276 = arith.index_cast %scan3A_171 : i32 to index
        %swap3A_277 = arith.constant 48 : index
        %swap3A_278 = tpu.vector_load %arg10[%swap3A_276, %swap3A_277] {strides = array<i32>} : memref<64x128xi32, #tpu.memory_space<vmem>>, vector<1x16xi32>,
        %swap3A_279 = vector.shape_cast %swap3A_278 : vector<1x16xi32> to vector<16xi32>
        %swap3A_280 = vector.shape_cast %or3A_275 : vector<16xi32> to vector<1x16xi32>
        tpu.vector_store %arg10[%swap3A_276, %swap3A_277], %swap3A_280 {strides = array<i32>} : memref<64x128xi32, #tpu.memory_space<vmem>>, vector<1x16xi32>,
        %get3A_281 = arith.constant 0 : i32
        %get3A_282 = arith.constant 0 : i32
        %get3A_283 = tpu.memref_slice %arg8[%scan3A_112, %get3A_281, %get3A_282] : memref<2x64x128xi32, #tpu.memory_space<vmem>> -> memref<1x64x128xi32, #tpu.memory_space<vmem>>
        %get3A_284 = tpu.memref_squeeze %get3A_283 : memref<1x64x128xi32, #tpu.memory_space<vmem>> -> memref<64x128xi32, #tpu.memory_space<vmem>>
        %get3A_285 = arith.index_cast %scan3A_171 : i32 to index
        %get3A_286 = arith.constant 64 : index
        %get3A_287 = tpu.vector_load %get3A_284[%get3A_285, %get3A_286] {strides = array<i32>} : memref<64x128xi32, #tpu.memory_space<vmem>>, vector<1x16xi32>,
        %get3A_288 = vector.shape_cast %get3A_287 : vector<1x16xi32> to vector<16xi32>
        %and3A_289 = arith.constant 65535 : i32
        %and3A_290 = vector.broadcast %and3A_289 : i32 to vector<16xi32>
        %and3A_291 = arith.andi %get3A_288, %and3A_290 : vector<16xi32>
        %get3A_292 = arith.constant 0 : i32
        %get3A_293 = arith.constant 0 : i32
        %get3A_294 = tpu.memref_slice %arg9[%scan3A_113, %get3A_292, %get3A_293] : memref<2x64x128xi32, #tpu.memory_space<vmem>> -> memref<1x64x128xi32, #tpu.memory_space<vmem>>
        %get3A_295 = tpu.memref_squeeze %get3A_294 : memref<1x64x128xi32, #tpu.memory_space<vmem>> -> memref<64x128xi32, #tpu.memory_space<vmem>>
        %get3A_296 = arith.index_cast %scan3A_171 : i32 to index
        %get3A_297 = arith.constant 64 : index
        %get3A_298 = tpu.vector_load %get3A_295[%get3A_296, %get3A_297] {strides = array<i32>} : memref<64x128xi32, #tpu.memory_space<vmem>>, vector<1x16xi32>,
        %get3A_299 = vector.shape_cast %get3A_298 : vector<1x16xi32> to vector<16xi32>
        %and3A_300 = arith.constant -65536 : i32
        %and3A_301 = vector.broadcast %and3A_300 : i32 to vector<16xi32>
        %and3A_302 = arith.andi %get3A_299, %and3A_301 : vector<16xi32>
        %or3A_303 = arith.ori %and3A_291, %and3A_302 : vector<16xi32>
        %swap3A_304 = arith.index_cast %scan3A_171 : i32 to index
        %swap3A_305 = arith.constant 64 : index
        %swap3A_306 = tpu.vector_load %arg10[%swap3A_304, %swap3A_305] {strides = array<i32>} : memref<64x128xi32, #tpu.memory_space<vmem>>, vector<1x16xi32>,
        %swap3A_307 = vector.shape_cast %swap3A_306 : vector<1x16xi32> to vector<16xi32>
        %swap3A_308 = vector.shape_cast %or3A_303 : vector<16xi32> to vector<1x16xi32>
        tpu.vector_store %arg10[%swap3A_304, %swap3A_305], %swap3A_308 {strides = array<i32>} : memref<64x128xi32, #tpu.memory_space<vmem>>, vector<1x16xi32>,
        %get3A_309 = arith.constant 0 : i32
        %get3A_310 = arith.constant 0 : i32
        %get3A_311 = tpu.memref_slice %arg8[%scan3A_112, %get3A_309, %get3A_310] : memref<2x64x128xi32, #tpu.memory_space<vmem>> -> memref<1x64x128xi32, #tpu.memory_space<vmem>>
        %get3A_312 = tpu.memref_squeeze %get3A_311 : memref<1x64x128xi32, #tpu.memory_space<vmem>> -> memref<64x128xi32, #tpu.memory_space<vmem>>
        %get3A_313 = arith.index_cast %scan3A_171 : i32 to index
        %get3A_314 = arith.constant 80 : index
        %get3A_315 = tpu.vector_load %get3A_312[%get3A_313, %get3A_314] {strides = array<i32>} : memref<64x128xi32, #tpu.memory_space<vmem>>, vector<1x16xi32>,
        %get3A_316 = vector.shape_cast %get3A_315 : vector<1x16xi32> to vector<16xi32>
        %and3A_317 = arith.constant 65535 : i32
        %and3A_318 = vector.broadcast %and3A_317 : i32 to vector<16xi32>
        %and3A_319 = arith.andi %get3A_316, %and3A_318 : vector<16xi32>
        %get3A_320 = arith.constant 0 : i32
        %get3A_321 = arith.constant 0 : i32
        %get3A_322 = tpu.memref_slice %arg9[%scan3A_113, %get3A_320, %get3A_321] : memref<2x64x128xi32, #tpu.memory_space<vmem>> -> memref<1x64x128xi32, #tpu.memory_space<vmem>>
        %get3A_323 = tpu.memref_squeeze %get3A_322 : memref<1x64x128xi32, #tpu.memory_space<vmem>> -> memref<64x128xi32, #tpu.memory_space<vmem>>
        %get3A_324 = arith.index_cast %scan3A_171 : i32 to index
        %get3A_325 = arith.constant 80 : index
        %get3A_326 = tpu.vector_load %get3A_323[%get3A_324, %get3A_325] {strides = array<i32>} : memref<64x128xi32, #tpu.memory_space<vmem>>, vector<1x16xi32>,
        %get3A_327 = vector.shape_cast %get3A_326 : vector<1x16xi32> to vector<16xi32>
        %and3A_328 = arith.constant -65536 : i32
        %and3A_329 = vector.broadcast %and3A_328 : i32 to vector<16xi32>
        %and3A_330 = arith.andi %get3A_327, %and3A_329 : vector<16xi32>
        %or3A_331 = arith.ori %and3A_319, %and3A_330 : vector<16xi32>
        %swap3A_332 = arith.index_cast %scan3A_171 : i32 to index
        %swap3A_333 = arith.constant 80 : index
        %swap3A_334 = tpu.vector_load %arg10[%swap3A_332, %swap3A_333] {strides = array<i32>} : memref<64x128xi32, #tpu.memory_space<vmem>>, vector<1x16xi32>,
        %swap3A_335 = vector.shape_cast %swap3A_334 : vector<1x16xi32> to vector<16xi32>
        %swap3A_336 = vector.shape_cast %or3A_331 : vector<16xi32> to vector<1x16xi32>
        tpu.vector_store %arg10[%swap3A_332, %swap3A_333], %swap3A_336 {strides = array<i32>} : memref<64x128xi32, #tpu.memory_space<vmem>>, vector<1x16xi32>,
        %get3A_337 = arith.constant 0 : i32
        %get3A_338 = arith.constant 0 : i32
        %get3A_339 = tpu.memref_slice %arg8[%scan3A_112, %get3A_337, %get3A_338] : memref<2x64x128xi32, #tpu.memory_space<vmem>> -> memref<1x64x128xi32, #tpu.memory_space<vmem>>
        %get3A_340 = tpu.memref_squeeze %get3A_339 : memref<1x64x128xi32, #tpu.memory_space<vmem>> -> memref<64x128xi32, #tpu.memory_space<vmem>>
        %get3A_341 = arith.index_cast %scan3A_171 : i32 to index
        %get3A_342 = arith.constant 96 : index
        %get3A_343 = tpu.vector_load %get3A_340[%get3A_341, %get3A_342] {strides = array<i32>} : memref<64x128xi32, #tpu.memory_space<vmem>>, vector<1x16xi32>,
        %get3A_344 = vector.shape_cast %get3A_343 : vector<1x16xi32> to vector<16xi32>
        %and3A_345 = arith.constant 65535 : i32
        %and3A_346 = vector.broadcast %and3A_345 : i32 to vector<16xi32>
        %and3A_347 = arith.andi %get3A_344, %and3A_346 : vector<16xi32>
        %get3A_348 = arith.constant 0 : i32
        %get3A_349 = arith.constant 0 : i32
        %get3A_350 = tpu.memref_slice %arg9[%scan3A_113, %get3A_348, %get3A_349] : memref<2x64x128xi32, #tpu.memory_space<vmem>> -> memref<1x64x128xi32, #tpu.memory_space<vmem>>
        %get3A_351 = tpu.memref_squeeze %get3A_350 : memref<1x64x128xi32, #tpu.memory_space<vmem>> -> memref<64x128xi32, #tpu.memory_space<vmem>>
        %get3A_352 = arith.index_cast %scan3A_171 : i32 to index
        %get3A_353 = arith.constant 96 : index
        %get3A_354 = tpu.vector_load %get3A_351[%get3A_352, %get3A_353] {strides = array<i32>} : memref<64x128xi32, #tpu.memory_space<vmem>>, vector<1x16xi32>,
        %get3A_355 = vector.shape_cast %get3A_354 : vector<1x16xi32> to vector<16xi32>
        %and3A_356 = arith.constant -65536 : i32
        %and3A_357 = vector.broadcast %and3A_356 : i32 to vector<16xi32>
        %and3A_358 = arith.andi %get3A_355, %and3A_357 : vector<16xi32>
        %or3A_359 = arith.ori %and3A_347, %and3A_358 : vector<16xi32>
        %swap3A_360 = arith.index_cast %scan3A_171 : i32 to index
        %swap3A_361 = arith.constant 96 : index
        %swap3A_362 = tpu.vector_load %arg10[%swap3A_360, %swap3A_361] {strides = array<i32>} : memref<64x128xi32, #tpu.memory_space<vmem>>, vector<1x16xi32>,
        %swap3A_363 = vector.shape_cast %swap3A_362 : vector<1x16xi32> to vector<16xi32>
        %swap3A_364 = vector.shape_cast %or3A_359 : vector<16xi32> to vector<1x16xi32>
        tpu.vector_store %arg10[%swap3A_360, %swap3A_361], %swap3A_364 {strides = array<i32>} : memref<64x128xi32, #tpu.memory_space<vmem>>, vector<1x16xi32>,
        %get3A_365 = arith.constant 0 : i32
        %get3A_366 = arith.constant 0 : i32
        %get3A_367 = tpu.memref_slice %arg8[%scan3A_112, %get3A_365, %get3A_366] : memref<2x64x128xi32, #tpu.memory_space<vmem>> -> memref<1x64x128xi32, #tpu.memory_space<vmem>>
        %get3A_368 = tpu.memref_squeeze %get3A_367 : memref<1x64x128xi32, #tpu.memory_space<vmem>> -> memref<64x128xi32, #tpu.memory_space<vmem>>
        %get3A_369 = arith.index_cast %scan3A_171 : i32 to index
        %get3A_370 = arith.constant 112 : index
        %get3A_371 = tpu.vector_load %get3A_368[%get3A_369, %get3A_370] {strides = array<i32>} : memref<64x128xi32, #tpu.memory_space<vmem>>, vector<1x16xi32>,
        %get3A_372 = vector.shape_cast %get3A_371 : vector<1x16xi32> to vector<16xi32>
        %and3A_373 = arith.constant 65535 : i32
        %and3A_374 = vector.broadcast %and3A_373 : i32 to vector<16xi32>
        %and3A_375 = arith.andi %get3A_372, %and3A_374 : vector<16xi32>
        %get3A_376 = arith.constant 0 : i32
        %get3A_377 = arith.constant 0 : i32
        %get3A_378 = tpu.memref_slice %arg9[%scan3A_113, %get3A_376, %get3A_377] : memref<2x64x128xi32, #tpu.memory_space<vmem>> -> memref<1x64x128xi32, #tpu.memory_space<vmem>>
        %get3A_379 = tpu.memref_squeeze %get3A_378 : memref<1x64x128xi32, #tpu.memory_space<vmem>> -> memref<64x128xi32, #tpu.memory_space<vmem>>
        %get3A_380 = arith.index_cast %scan3A_171 : i32 to index
        %get3A_381 = arith.constant 112 : index
        %get3A_382 = tpu.vector_load %get3A_379[%get3A_380, %get3A_381] {strides = array<i32>} : memref<64x128xi32, #tpu.memory_space<vmem>>, vector<1x16xi32>,
        %get3A_383 = vector.shape_cast %get3A_382 : vector<1x16xi32> to vector<16xi32>
        %and3A_384 = arith.constant -65536 : i32
        %and3A_385 = vector.broadcast %and3A_384 : i32 to vector<16xi32>
        %and3A_386 = arith.andi %get3A_383, %and3A_385 : vector<16xi32>
        %or3A_387 = arith.ori %and3A_375, %and3A_386 : vector<16xi32>
        %swap3A_388 = arith.index_cast %scan3A_171 : i32 to index
        %swap3A_389 = arith.constant 112 : index
        %swap3A_390 = tpu.vector_load %arg10[%swap3A_388, %swap3A_389] {strides = array<i32>} : memref<64x128xi32, #tpu.memory_space<vmem>>, vector<1x16xi32>,
        %swap3A_391 = vector.shape_cast %swap3A_390 : vector<1x16xi32> to vector<16xi32>
        %swap3A_392 = vector.shape_cast %or3A_387 : vector<16xi32> to vector<1x16xi32>
        tpu.vector_store %arg10[%swap3A_388, %swap3A_389], %swap3A_392 {strides = array<i32>} : memref<64x128xi32, #tpu.memory_space<vmem>>, vector<1x16xi32>,
      }
      %scan3A_118 = arith.constant 64 : i32
      %mul3A_119 = arith.constant 64 : i32
      %mul3A_120 = arith.muli %mul3A_31, %mul3A_119 : i32
      %add3A_121 = arith.addi %mul3A_6, %mul3A_120 : i32
      %dma_start3A_122 = arith.constant 0 : i32
      %dma_start3A_123 = tpu.memref_slice %arg5[%add3A_121, %dma_start3A_122] : memref<163840x128xi32, #tpu.memory_space<hbm>> -> memref<64x128xi32, #tpu.memory_space<hbm>>
      %dma_start3A_124 = arith.constant 0 : i32
      %dma_start3A_125 = tpu.memref_slice %arg5[%add3A_121, %dma_start3A_124] : memref<163840x128xi32, #tpu.memory_space<hbm>> -> memref<64x128xi32, #tpu.memory_space<hbm>>
      tpu.enqueue_dma source(%arg10 : memref<64x128xi32, #tpu.memory_space<vmem>>) target(%dma_start3A_125 : memref<64x128xi32, #tpu.memory_space<hbm>>) target_semaphore(%arg16 : memref<!tpu.dma_semaphore, #tpu.memory_space<semaphore_mem>>)
      %add3A_126 = arith.constant 1 : i32
      %add3A_127 = arith.addi %mul3A_31, %add3A_126 : i32
      %dma_wait3A_128 = arith.constant 1 : i32
      %dma_wait3A_129 = arith.constant 0 : i32
      %dma_wait3A_130 = arith.constant 0 : i32
      %dma_wait3A_131 = tpu.memref_slice %arg8[%dma_wait3A_128, %dma_wait3A_129, %dma_wait3A_130] : memref<2x64x128xi32, #tpu.memory_space<vmem>> -> memref<1x64x128xi32, #tpu.memory_space<vmem>>
      %dma_wait3A_132 = tpu.memref_squeeze %dma_wait3A_131 : memref<1x64x128xi32, #tpu.memory_space<vmem>> -> memref<64x128xi32, #tpu.memory_space<vmem>>
      %dma_wait3A_133 = arith.constant 0 : i32
      %dma_wait3A_134 = tpu.memref_slice %arg6[%add3A_60, %dma_wait3A_133] : memref<8x64xi32, #tpu.memory_space<vmem>> -> memref<1x64xi32, #tpu.memory_space<vmem>>
      %dma_wait3A_135 = tpu.memref_squeeze %dma_wait3A_134 : memref<1x64xi32, #tpu.memory_space<vmem>> -> memref<64xi32, #tpu.memory_space<vmem>>
      %dma_wait3A_136 = arith.constant 0 : i32
      %dma_wait3A_137 = arith.constant 0 : i32
      %dma_wait3A_138 = tpu.memref_slice %arg11[%dma_wait3A_136, %dma_wait3A_137] : memref<10240x128xi32, #tpu.memory_space<vmem_shared>> -> memref<10240x128xi32, #tpu.memory_space<vmem_shared>>
      tpu.wait_indirect_dma semaphore(%arg14 : memref<!tpu.dma_semaphore, #tpu.memory_space<semaphore_mem>>) src(%dma_wait3A_138 : memref<10240x128xi32, #tpu.memory_space<vmem_shared>>) dst(%dma_wait3A_132 : memref<64x128xi32, #tpu.memory_space<vmem>>)
      %dma_wait3A_139 = arith.constant 1 : i32
      %dma_wait3A_140 = arith.constant 0 : i32
      %dma_wait3A_141 = arith.constant 0 : i32
      %dma_wait3A_142 = tpu.memref_slice %arg9[%dma_wait3A_139, %dma_wait3A_140, %dma_wait3A_141] : memref<2x64x128xi32, #tpu.memory_space<vmem>> -> memref<1x64x128xi32, #tpu.memory_space<vmem>>
      %dma_wait3A_143 = tpu.memref_squeeze %dma_wait3A_142 : memref<1x64x128xi32, #tpu.memory_space<vmem>> -> memref<64x128xi32, #tpu.memory_space<vmem>>
      %dma_wait3A_144 = arith.constant 0 : i32
      %dma_wait3A_145 = tpu.memref_slice %arg7[%add3A_60, %dma_wait3A_144] : memref<8x64xi32, #tpu.memory_space<vmem>> -> memref<1x64xi32, #tpu.memory_space<vmem>>
      %dma_wait3A_146 = tpu.memref_squeeze %dma_wait3A_145 : memref<1x64xi32, #tpu.memory_space<vmem>> -> memref<64xi32, #tpu.memory_space<vmem>>
      %dma_wait3A_147 = arith.constant 0 : i32
      %dma_wait3A_148 = arith.constant 0 : i32
      %dma_wait3A_149 = tpu.memref_slice %arg11[%dma_wait3A_147, %dma_wait3A_148] : memref<10240x128xi32, #tpu.memory_space<vmem_shared>> -> memref<10240x128xi32, #tpu.memory_space<vmem_shared>>
      tpu.wait_indirect_dma semaphore(%arg15 : memref<!tpu.dma_semaphore, #tpu.memory_space<semaphore_mem>>) src(%dma_wait3A_149 : memref<10240x128xi32, #tpu.memory_space<vmem_shared>>) dst(%dma_wait3A_143 : memref<64x128xi32, #tpu.memory_space<vmem>>)
      %not3A_150 = arith.constant false
      %not3A_151 = arith.constant true
      %not3A_152 = arith.xori %not3A_150, %not3A_151 : i1
      %convert_element_type3A_153 = arith.extui %not3A_152 : i1 to i32
      %cond3A_154 = arith.constant 0 : i32
      %cond3A_155 = arith.cmpi ne, %convert_element_type3A_153, %cond3A_154 : i32
      scf.if %cond3A_155 {
        %dma_wait3A_171 = arith.constant 0 : i32
        %dma_wait3A_172 = arith.constant 0 : i32
        %dma_wait3A_173 = tpu.memref_slice %arg5[%dma_wait3A_171, %dma_wait3A_172] : memref<163840x128xi32, #tpu.memory_space<hbm>> -> memref<64x128xi32, #tpu.memory_space<hbm>>
        %dma_wait3A_174 = arith.constant 0 : i32
        %dma_wait3A_175 = arith.constant 0 : i32
        %dma_wait3A_176 = tpu.memref_slice %arg5[%dma_wait3A_174, %dma_wait3A_175] : memref<163840x128xi32, #tpu.memory_space<hbm>> -> memref<64x128xi32, #tpu.memory_space<hbm>>
        tpu.wait_dma2 semaphore(%arg16 : memref<!tpu.dma_semaphore, #tpu.memory_space<semaphore_mem>>) src(%dma_wait3A_176 : memref<64x128xi32, #tpu.memory_space<hbm>>) dst(%arg10 : memref<64x128xi32, #tpu.memory_space<vmem>>)
      } else {
      }
      %scan3A_156 = arith.constant 0 : i32
      %scan3A_157 = arith.constant 1 : i32
      %scan3A_158 = arith.constant 1 : i32
      %scan3A_159 = arith.constant 0 : i32
      %scan3A_160 = arith.constant 64 : i32
      %scan3A_161 = arith.addi %scan3A_159, %scan3A_160 : i32
      %scan3A_162 = arith.constant 1 : i32
      scf.for %scan3A_171 = %scan3A_159 to %scan3A_161 step %scan3A_162  : i32 {
        %get3A = arith.constant 0 : i32
        %get3A_172 = arith.constant 0 : i32
        %get3A_173 = tpu.memref_slice %arg8[%scan3A_157, %get3A, %get3A_172] : memref<2x64x128xi32, #tpu.memory_space<vmem>> -> memref<1x64x128xi32, #tpu.memory_space<vmem>>
        %get3A_174 = tpu.memref_squeeze %get3A_173 : memref<1x64x128xi32, #tpu.memory_space<vmem>> -> memref<64x128xi32, #tpu.memory_space<vmem>>
        %get3A_175 = arith.index_cast %scan3A_171 : i32 to index
        %get3A_176 = arith.constant 0 : index
        %get3A_177 = tpu.vector_load %get3A_174[%get3A_175, %get3A_176] {strides = array<i32>} : memref<64x128xi32, #tpu.memory_space<vmem>>, vector<1x16xi32>,
        %get3A_178 = vector.shape_cast %get3A_177 : vector<1x16xi32> to vector<16xi32>
        %and3A_179 = arith.constant 65535 : i32
        %and3A_180 = vector.broadcast %and3A_179 : i32 to vector<16xi32>
        %and3A_181 = arith.andi %get3A_178, %and3A_180 : vector<16xi32>
        %get3A_182 = arith.constant 0 : i32
        %get3A_183 = arith.constant 0 : i32
        %get3A_184 = tpu.memref_slice %arg9[%scan3A_158, %get3A_182, %get3A_183] : memref<2x64x128xi32, #tpu.memory_space<vmem>> -> memref<1x64x128xi32, #tpu.memory_space<vmem>>
        %get3A_185 = tpu.memref_squeeze %get3A_184 : memref<1x64x128xi32, #tpu.memory_space<vmem>> -> memref<64x128xi32, #tpu.memory_space<vmem>>
        %get3A_186 = arith.index_cast %scan3A_171 : i32 to index
        %get3A_187 = arith.constant 0 : index
        %get3A_188 = tpu.vector_load %get3A_185[%get3A_186, %get3A_187] {strides = array<i32>} : memref<64x128xi32, #tpu.memory_space<vmem>>, vector<1x16xi32>,
        %get3A_189 = vector.shape_cast %get3A_188 : vector<1x16xi32> to vector<16xi32>
        %and3A_190 = arith.constant -65536 : i32
        %and3A_191 = vector.broadcast %and3A_190 : i32 to vector<16xi32>
        %and3A_192 = arith.andi %get3A_189, %and3A_191 : vector<16xi32>
        %or3A = arith.ori %and3A_181, %and3A_192 : vector<16xi32>
        %swap3A = arith.index_cast %scan3A_171 : i32 to index
        %swap3A_193 = arith.constant 0 : index
        %swap3A_194 = tpu.vector_load %arg10[%swap3A, %swap3A_193] {strides = array<i32>} : memref<64x128xi32, #tpu.memory_space<vmem>>, vector<1x16xi32>,
        %swap3A_195 = vector.shape_cast %swap3A_194 : vector<1x16xi32> to vector<16xi32>
        %swap3A_196 = vector.shape_cast %or3A : vector<16xi32> to vector<1x16xi32>
        tpu.vector_store %arg10[%swap3A, %swap3A_193], %swap3A_196 {strides = array<i32>} : memref<64x128xi32, #tpu.memory_space<vmem>>, vector<1x16xi32>,
        %get3A_197 = arith.constant 0 : i32
        %get3A_198 = arith.constant 0 : i32
        %get3A_199 = tpu.memref_slice %arg8[%scan3A_157, %get3A_197, %get3A_198] : memref<2x64x128xi32, #tpu.memory_space<vmem>> -> memref<1x64x128xi32, #tpu.memory_space<vmem>>
        %get3A_200 = tpu.memref_squeeze %get3A_199 : memref<1x64x128xi32, #tpu.memory_space<vmem>> -> memref<64x128xi32, #tpu.memory_space<vmem>>
        %get3A_201 = arith.index_cast %scan3A_171 : i32 to index
        %get3A_202 = arith.constant 16 : index
        %get3A_203 = tpu.vector_load %get3A_200[%get3A_201, %get3A_202] {strides = array<i32>} : memref<64x128xi32, #tpu.memory_space<vmem>>, vector<1x16xi32>,
        %get3A_204 = vector.shape_cast %get3A_203 : vector<1x16xi32> to vector<16xi32>
        %and3A_205 = arith.constant 65535 : i32
        %and3A_206 = vector.broadcast %and3A_205 : i32 to vector<16xi32>
        %and3A_207 = arith.andi %get3A_204, %and3A_206 : vector<16xi32>
        %get3A_208 = arith.constant 0 : i32
        %get3A_209 = arith.constant 0 : i32
        %get3A_210 = tpu.memref_slice %arg9[%scan3A_158, %get3A_208, %get3A_209] : memref<2x64x128xi32, #tpu.memory_space<vmem>> -> memref<1x64x128xi32, #tpu.memory_space<vmem>>
        %get3A_211 = tpu.memref_squeeze %get3A_210 : memref<1x64x128xi32, #tpu.memory_space<vmem>> -> memref<64x128xi32, #tpu.memory_space<vmem>>
        %get3A_212 = arith.index_cast %scan3A_171 : i32 to index
        %get3A_213 = arith.constant 16 : index
        %get3A_214 = tpu.vector_load %get3A_211[%get3A_212, %get3A_213] {strides = array<i32>} : memref<64x128xi32, #tpu.memory_space<vmem>>, vector<1x16xi32>,
        %get3A_215 = vector.shape_cast %get3A_214 : vector<1x16xi32> to vector<16xi32>
        %and3A_216 = arith.constant -65536 : i32
        %and3A_217 = vector.broadcast %and3A_216 : i32 to vector<16xi32>
        %and3A_218 = arith.andi %get3A_215, %and3A_217 : vector<16xi32>
        %or3A_219 = arith.ori %and3A_207, %and3A_218 : vector<16xi32>
        %swap3A_220 = arith.index_cast %scan3A_171 : i32 to index
        %swap3A_221 = arith.constant 16 : index
        %swap3A_222 = tpu.vector_load %arg10[%swap3A_220, %swap3A_221] {strides = array<i32>} : memref<64x128xi32, #tpu.memory_space<vmem>>, vector<1x16xi32>,
        %swap3A_223 = vector.shape_cast %swap3A_222 : vector<1x16xi32> to vector<16xi32>
        %swap3A_224 = vector.shape_cast %or3A_219 : vector<16xi32> to vector<1x16xi32>
        tpu.vector_store %arg10[%swap3A_220, %swap3A_221], %swap3A_224 {strides = array<i32>} : memref<64x128xi32, #tpu.memory_space<vmem>>, vector<1x16xi32>,
        %get3A_225 = arith.constant 0 : i32
        %get3A_226 = arith.constant 0 : i32
        %get3A_227 = tpu.memref_slice %arg8[%scan3A_157, %get3A_225, %get3A_226] : memref<2x64x128xi32, #tpu.memory_space<vmem>> -> memref<1x64x128xi32, #tpu.memory_space<vmem>>
        %get3A_228 = tpu.memref_squeeze %get3A_227 : memref<1x64x128xi32, #tpu.memory_space<vmem>> -> memref<64x128xi32, #tpu.memory_space<vmem>>
        %get3A_229 = arith.index_cast %scan3A_171 : i32 to index
        %get3A_230 = arith.constant 32 : index
        %get3A_231 = tpu.vector_load %get3A_228[%get3A_229, %get3A_230] {strides = array<i32>} : memref<64x128xi32, #tpu.memory_space<vmem>>, vector<1x16xi32>,
        %get3A_232 = vector.shape_cast %get3A_231 : vector<1x16xi32> to vector<16xi32>
        %and3A_233 = arith.constant 65535 : i32
        %and3A_234 = vector.broadcast %and3A_233 : i32 to vector<16xi32>
        %and3A_235 = arith.andi %get3A_232, %and3A_234 : vector<16xi32>
        %get3A_236 = arith.constant 0 : i32
        %get3A_237 = arith.constant 0 : i32
        %get3A_238 = tpu.memref_slice %arg9[%scan3A_158, %get3A_236, %get3A_237] : memref<2x64x128xi32, #tpu.memory_space<vmem>> -> memref<1x64x128xi32, #tpu.memory_space<vmem>>
        %get3A_239 = tpu.memref_squeeze %get3A_238 : memref<1x64x128xi32, #tpu.memory_space<vmem>> -> memref<64x128xi32, #tpu.memory_space<vmem>>
        %get3A_240 = arith.index_cast %scan3A_171 : i32 to index
        %get3A_241 = arith.constant 32 : index
        %get3A_242 = tpu.vector_load %get3A_239[%get3A_240, %get3A_241] {strides = array<i32>} : memref<64x128xi32, #tpu.memory_space<vmem>>, vector<1x16xi32>,
        %get3A_243 = vector.shape_cast %get3A_242 : vector<1x16xi32> to vector<16xi32>
        %and3A_244 = arith.constant -65536 : i32
        %and3A_245 = vector.broadcast %and3A_244 : i32 to vector<16xi32>
        %and3A_246 = arith.andi %get3A_243, %and3A_245 : vector<16xi32>
        %or3A_247 = arith.ori %and3A_235, %and3A_246 : vector<16xi32>
        %swap3A_248 = arith.index_cast %scan3A_171 : i32 to index
        %swap3A_249 = arith.constant 32 : index
        %swap3A_250 = tpu.vector_load %arg10[%swap3A_248, %swap3A_249] {strides = array<i32>} : memref<64x128xi32, #tpu.memory_space<vmem>>, vector<1x16xi32>,
        %swap3A_251 = vector.shape_cast %swap3A_250 : vector<1x16xi32> to vector<16xi32>
        %swap3A_252 = vector.shape_cast %or3A_247 : vector<16xi32> to vector<1x16xi32>
        tpu.vector_store %arg10[%swap3A_248, %swap3A_249], %swap3A_252 {strides = array<i32>} : memref<64x128xi32, #tpu.memory_space<vmem>>, vector<1x16xi32>,
        %get3A_253 = arith.constant 0 : i32
        %get3A_254 = arith.constant 0 : i32
        %get3A_255 = tpu.memref_slice %arg8[%scan3A_157, %get3A_253, %get3A_254] : memref<2x64x128xi32, #tpu.memory_space<vmem>> -> memref<1x64x128xi32, #tpu.memory_space<vmem>>
        %get3A_256 = tpu.memref_squeeze %get3A_255 : memref<1x64x128xi32, #tpu.memory_space<vmem>> -> memref<64x128xi32, #tpu.memory_space<vmem>>
        %get3A_257 = arith.index_cast %scan3A_171 : i32 to index
        %get3A_258 = arith.constant 48 : index
        %get3A_259 = tpu.vector_load %get3A_256[%get3A_257, %get3A_258] {strides = array<i32>} : memref<64x128xi32, #tpu.memory_space<vmem>>, vector<1x16xi32>,
        %get3A_260 = vector.shape_cast %get3A_259 : vector<1x16xi32> to vector<16xi32>
        %and3A_261 = arith.constant 65535 : i32
        %and3A_262 = vector.broadcast %and3A_261 : i32 to vector<16xi32>
        %and3A_263 = arith.andi %get3A_260, %and3A_262 : vector<16xi32>
        %get3A_264 = arith.constant 0 : i32
        %get3A_265 = arith.constant 0 : i32
        %get3A_266 = tpu.memref_slice %arg9[%scan3A_158, %get3A_264, %get3A_265] : memref<2x64x128xi32, #tpu.memory_space<vmem>> -> memref<1x64x128xi32, #tpu.memory_space<vmem>>
        %get3A_267 = tpu.memref_squeeze %get3A_266 : memref<1x64x128xi32, #tpu.memory_space<vmem>> -> memref<64x128xi32, #tpu.memory_space<vmem>>
        %get3A_268 = arith.index_cast %scan3A_171 : i32 to index
        %get3A_269 = arith.constant 48 : index
        %get3A_270 = tpu.vector_load %get3A_267[%get3A_268, %get3A_269] {strides = array<i32>} : memref<64x128xi32, #tpu.memory_space<vmem>>, vector<1x16xi32>,
        %get3A_271 = vector.shape_cast %get3A_270 : vector<1x16xi32> to vector<16xi32>
        %and3A_272 = arith.constant -65536 : i32
        %and3A_273 = vector.broadcast %and3A_272 : i32 to vector<16xi32>
        %and3A_274 = arith.andi %get3A_271, %and3A_273 : vector<16xi32>
        %or3A_275 = arith.ori %and3A_263, %and3A_274 : vector<16xi32>
        %swap3A_276 = arith.index_cast %scan3A_171 : i32 to index
        %swap3A_277 = arith.constant 48 : index
        %swap3A_278 = tpu.vector_load %arg10[%swap3A_276, %swap3A_277] {strides = array<i32>} : memref<64x128xi32, #tpu.memory_space<vmem>>, vector<1x16xi32>,
        %swap3A_279 = vector.shape_cast %swap3A_278 : vector<1x16xi32> to vector<16xi32>
        %swap3A_280 = vector.shape_cast %or3A_275 : vector<16xi32> to vector<1x16xi32>
        tpu.vector_store %arg10[%swap3A_276, %swap3A_277], %swap3A_280 {strides = array<i32>} : memref<64x128xi32, #tpu.memory_space<vmem>>, vector<1x16xi32>,
        %get3A_281 = arith.constant 0 : i32
        %get3A_282 = arith.constant 0 : i32
        %get3A_283 = tpu.memref_slice %arg8[%scan3A_157, %get3A_281, %get3A_282] : memref<2x64x128xi32, #tpu.memory_space<vmem>> -> memref<1x64x128xi32, #tpu.memory_space<vmem>>
        %get3A_284 = tpu.memref_squeeze %get3A_283 : memref<1x64x128xi32, #tpu.memory_space<vmem>> -> memref<64x128xi32, #tpu.memory_space<vmem>>
        %get3A_285 = arith.index_cast %scan3A_171 : i32 to index
        %get3A_286 = arith.constant 64 : index
        %get3A_287 = tpu.vector_load %get3A_284[%get3A_285, %get3A_286] {strides = array<i32>} : memref<64x128xi32, #tpu.memory_space<vmem>>, vector<1x16xi32>,
        %get3A_288 = vector.shape_cast %get3A_287 : vector<1x16xi32> to vector<16xi32>
        %and3A_289 = arith.constant 65535 : i32
        %and3A_290 = vector.broadcast %and3A_289 : i32 to vector<16xi32>
        %and3A_291 = arith.andi %get3A_288, %and3A_290 : vector<16xi32>
        %get3A_292 = arith.constant 0 : i32
        %get3A_293 = arith.constant 0 : i32
        %get3A_294 = tpu.memref_slice %arg9[%scan3A_158, %get3A_292, %get3A_293] : memref<2x64x128xi32, #tpu.memory_space<vmem>> -> memref<1x64x128xi32, #tpu.memory_space<vmem>>
        %get3A_295 = tpu.memref_squeeze %get3A_294 : memref<1x64x128xi32, #tpu.memory_space<vmem>> -> memref<64x128xi32, #tpu.memory_space<vmem>>
        %get3A_296 = arith.index_cast %scan3A_171 : i32 to index
        %get3A_297 = arith.constant 64 : index
        %get3A_298 = tpu.vector_load %get3A_295[%get3A_296, %get3A_297] {strides = array<i32>} : memref<64x128xi32, #tpu.memory_space<vmem>>, vector<1x16xi32>,
        %get3A_299 = vector.shape_cast %get3A_298 : vector<1x16xi32> to vector<16xi32>
        %and3A_300 = arith.constant -65536 : i32
        %and3A_301 = vector.broadcast %and3A_300 : i32 to vector<16xi32>
        %and3A_302 = arith.andi %get3A_299, %and3A_301 : vector<16xi32>
        %or3A_303 = arith.ori %and3A_291, %and3A_302 : vector<16xi32>
        %swap3A_304 = arith.index_cast %scan3A_171 : i32 to index
        %swap3A_305 = arith.constant 64 : index
        %swap3A_306 = tpu.vector_load %arg10[%swap3A_304, %swap3A_305] {strides = array<i32>} : memref<64x128xi32, #tpu.memory_space<vmem>>, vector<1x16xi32>,
        %swap3A_307 = vector.shape_cast %swap3A_306 : vector<1x16xi32> to vector<16xi32>
        %swap3A_308 = vector.shape_cast %or3A_303 : vector<16xi32> to vector<1x16xi32>
        tpu.vector_store %arg10[%swap3A_304, %swap3A_305], %swap3A_308 {strides = array<i32>} : memref<64x128xi32, #tpu.memory_space<vmem>>, vector<1x16xi32>,
        %get3A_309 = arith.constant 0 : i32
        %get3A_310 = arith.constant 0 : i32
        %get3A_311 = tpu.memref_slice %arg8[%scan3A_157, %get3A_309, %get3A_310] : memref<2x64x128xi32, #tpu.memory_space<vmem>> -> memref<1x64x128xi32, #tpu.memory_space<vmem>>
        %get3A_312 = tpu.memref_squeeze %get3A_311 : memref<1x64x128xi32, #tpu.memory_space<vmem>> -> memref<64x128xi32, #tpu.memory_space<vmem>>
        %get3A_313 = arith.index_cast %scan3A_171 : i32 to index
        %get3A_314 = arith.constant 80 : index
        %get3A_315 = tpu.vector_load %get3A_312[%get3A_313, %get3A_314] {strides = array<i32>} : memref<64x128xi32, #tpu.memory_space<vmem>>, vector<1x16xi32>,
        %get3A_316 = vector.shape_cast %get3A_315 : vector<1x16xi32> to vector<16xi32>
        %and3A_317 = arith.constant 65535 : i32
        %and3A_318 = vector.broadcast %and3A_317 : i32 to vector<16xi32>
        %and3A_319 = arith.andi %get3A_316, %and3A_318 : vector<16xi32>
        %get3A_320 = arith.constant 0 : i32
        %get3A_321 = arith.constant 0 : i32
        %get3A_322 = tpu.memref_slice %arg9[%scan3A_158, %get3A_320, %get3A_321] : memref<2x64x128xi32, #tpu.memory_space<vmem>> -> memref<1x64x128xi32, #tpu.memory_space<vmem>>
        %get3A_323 = tpu.memref_squeeze %get3A_322 : memref<1x64x128xi32, #tpu.memory_space<vmem>> -> memref<64x128xi32, #tpu.memory_space<vmem>>
        %get3A_324 = arith.index_cast %scan3A_171 : i32 to index
        %get3A_325 = arith.constant 80 : index
        %get3A_326 = tpu.vector_load %get3A_323[%get3A_324, %get3A_325] {strides = array<i32>} : memref<64x128xi32, #tpu.memory_space<vmem>>, vector<1x16xi32>,
        %get3A_327 = vector.shape_cast %get3A_326 : vector<1x16xi32> to vector<16xi32>
        %and3A_328 = arith.constant -65536 : i32
        %and3A_329 = vector.broadcast %and3A_328 : i32 to vector<16xi32>
        %and3A_330 = arith.andi %get3A_327, %and3A_329 : vector<16xi32>
        %or3A_331 = arith.ori %and3A_319, %and3A_330 : vector<16xi32>
        %swap3A_332 = arith.index_cast %scan3A_171 : i32 to index
        %swap3A_333 = arith.constant 80 : index
        %swap3A_334 = tpu.vector_load %arg10[%swap3A_332, %swap3A_333] {strides = array<i32>} : memref<64x128xi32, #tpu.memory_space<vmem>>, vector<1x16xi32>,
        %swap3A_335 = vector.shape_cast %swap3A_334 : vector<1x16xi32> to vector<16xi32>
        %swap3A_336 = vector.shape_cast %or3A_331 : vector<16xi32> to vector<1x16xi32>
        tpu.vector_store %arg10[%swap3A_332, %swap3A_333], %swap3A_336 {strides = array<i32>} : memref<64x128xi32, #tpu.memory_space<vmem>>, vector<1x16xi32>,
        %get3A_337 = arith.constant 0 : i32
        %get3A_338 = arith.constant 0 : i32
        %get3A_339 = tpu.memref_slice %arg8[%scan3A_157, %get3A_337, %get3A_338] : memref<2x64x128xi32, #tpu.memory_space<vmem>> -> memref<1x64x128xi32, #tpu.memory_space<vmem>>
        %get3A_340 = tpu.memref_squeeze %get3A_339 : memref<1x64x128xi32, #tpu.memory_space<vmem>> -> memref<64x128xi32, #tpu.memory_space<vmem>>
        %get3A_341 = arith.index_cast %scan3A_171 : i32 to index
        %get3A_342 = arith.constant 96 : index
        %get3A_343 = tpu.vector_load %get3A_340[%get3A_341, %get3A_342] {strides = array<i32>} : memref<64x128xi32, #tpu.memory_space<vmem>>, vector<1x16xi32>,
        %get3A_344 = vector.shape_cast %get3A_343 : vector<1x16xi32> to vector<16xi32>
        %and3A_345 = arith.constant 65535 : i32
        %and3A_346 = vector.broadcast %and3A_345 : i32 to vector<16xi32>
        %and3A_347 = arith.andi %get3A_344, %and3A_346 : vector<16xi32>
        %get3A_348 = arith.constant 0 : i32
        %get3A_349 = arith.constant 0 : i32
        %get3A_350 = tpu.memref_slice %arg9[%scan3A_158, %get3A_348, %get3A_349] : memref<2x64x128xi32, #tpu.memory_space<vmem>> -> memref<1x64x128xi32, #tpu.memory_space<vmem>>
        %get3A_351 = tpu.memref_squeeze %get3A_350 : memref<1x64x128xi32, #tpu.memory_space<vmem>> -> memref<64x128xi32, #tpu.memory_space<vmem>>
        %get3A_352 = arith.index_cast %scan3A_171 : i32 to index
        %get3A_353 = arith.constant 96 : index
        %get3A_354 = tpu.vector_load %get3A_351[%get3A_352, %get3A_353] {strides = array<i32>} : memref<64x128xi32, #tpu.memory_space<vmem>>, vector<1x16xi32>,
        %get3A_355 = vector.shape_cast %get3A_354 : vector<1x16xi32> to vector<16xi32>
        %and3A_356 = arith.constant -65536 : i32
        %and3A_357 = vector.broadcast %and3A_356 : i32 to vector<16xi32>
        %and3A_358 = arith.andi %get3A_355, %and3A_357 : vector<16xi32>
        %or3A_359 = arith.ori %and3A_347, %and3A_358 : vector<16xi32>
        %swap3A_360 = arith.index_cast %scan3A_171 : i32 to index
        %swap3A_361 = arith.constant 96 : index
        %swap3A_362 = tpu.vector_load %arg10[%swap3A_360, %swap3A_361] {strides = array<i32>} : memref<64x128xi32, #tpu.memory_space<vmem>>, vector<1x16xi32>,
        %swap3A_363 = vector.shape_cast %swap3A_362 : vector<1x16xi32> to vector<16xi32>
        %swap3A_364 = vector.shape_cast %or3A_359 : vector<16xi32> to vector<1x16xi32>
        tpu.vector_store %arg10[%swap3A_360, %swap3A_361], %swap3A_364 {strides = array<i32>} : memref<64x128xi32, #tpu.memory_space<vmem>>, vector<1x16xi32>,
        %get3A_365 = arith.constant 0 : i32
        %get3A_366 = arith.constant 0 : i32
        %get3A_367 = tpu.memref_slice %arg8[%scan3A_157, %get3A_365, %get3A_366] : memref<2x64x128xi32, #tpu.memory_space<vmem>> -> memref<1x64x128xi32, #tpu.memory_space<vmem>>
        %get3A_368 = tpu.memref_squeeze %get3A_367 : memref<1x64x128xi32, #tpu.memory_space<vmem>> -> memref<64x128xi32, #tpu.memory_space<vmem>>
        %get3A_369 = arith.index_cast %scan3A_171 : i32 to index
        %get3A_370 = arith.constant 112 : index
        %get3A_371 = tpu.vector_load %get3A_368[%get3A_369, %get3A_370] {strides = array<i32>} : memref<64x128xi32, #tpu.memory_space<vmem>>, vector<1x16xi32>,
        %get3A_372 = vector.shape_cast %get3A_371 : vector<1x16xi32> to vector<16xi32>
        %and3A_373 = arith.constant 65535 : i32
        %and3A_374 = vector.broadcast %and3A_373 : i32 to vector<16xi32>
        %and3A_375 = arith.andi %get3A_372, %and3A_374 : vector<16xi32>
        %get3A_376 = arith.constant 0 : i32
        %get3A_377 = arith.constant 0 : i32
        %get3A_378 = tpu.memref_slice %arg9[%scan3A_158, %get3A_376, %get3A_377] : memref<2x64x128xi32, #tpu.memory_space<vmem>> -> memref<1x64x128xi32, #tpu.memory_space<vmem>>
        %get3A_379 = tpu.memref_squeeze %get3A_378 : memref<1x64x128xi32, #tpu.memory_space<vmem>> -> memref<64x128xi32, #tpu.memory_space<vmem>>
        %get3A_380 = arith.index_cast %scan3A_171 : i32 to index
        %get3A_381 = arith.constant 112 : index
        %get3A_382 = tpu.vector_load %get3A_379[%get3A_380, %get3A_381] {strides = array<i32>} : memref<64x128xi32, #tpu.memory_space<vmem>>, vector<1x16xi32>,
        %get3A_383 = vector.shape_cast %get3A_382 : vector<1x16xi32> to vector<16xi32>
        %and3A_384 = arith.constant -65536 : i32
        %and3A_385 = vector.broadcast %and3A_384 : i32 to vector<16xi32>
        %and3A_386 = arith.andi %get3A_383, %and3A_385 : vector<16xi32>
        %or3A_387 = arith.ori %and3A_375, %and3A_386 : vector<16xi32>
        %swap3A_388 = arith.index_cast %scan3A_171 : i32 to index
        %swap3A_389 = arith.constant 112 : index
        %swap3A_390 = tpu.vector_load %arg10[%swap3A_388, %swap3A_389] {strides = array<i32>} : memref<64x128xi32, #tpu.memory_space<vmem>>, vector<1x16xi32>,
        %swap3A_391 = vector.shape_cast %swap3A_390 : vector<1x16xi32> to vector<16xi32>
        %swap3A_392 = vector.shape_cast %or3A_387 : vector<16xi32> to vector<1x16xi32>
        tpu.vector_store %arg10[%swap3A_388, %swap3A_389], %swap3A_392 {strides = array<i32>} : memref<64x128xi32, #tpu.memory_space<vmem>>, vector<1x16xi32>,
      }
      %scan3A_163 = arith.constant 64 : i32
      %mul3A_164 = arith.constant 64 : i32
      %mul3A_165 = arith.muli %add3A_127, %mul3A_164 : i32
      %add3A_166 = arith.addi %mul3A_6, %mul3A_165 : i32
      %dma_start3A_167 = arith.constant 0 : i32
      %dma_start3A_168 = tpu.memref_slice %arg5[%add3A_166, %dma_start3A_167] : memref<163840x128xi32, #tpu.memory_space<hbm>> -> memref<64x128xi32, #tpu.memory_space<hbm>>
      %dma_start3A_169 = arith.constant 0 : i32
      %dma_start3A_170 = tpu.memref_slice %arg5[%add3A_166, %dma_start3A_169] : memref<163840x128xi32, #tpu.memory_space<hbm>> -> memref<64x128xi32, #tpu.memory_space<hbm>>
      tpu.enqueue_dma source(%arg10 : memref<64x128xi32, #tpu.memory_space<vmem>>) target(%dma_start3A_170 : memref<64x128xi32, #tpu.memory_space<hbm>>) target_semaphore(%arg16 : memref<!tpu.dma_semaphore, #tpu.memory_space<semaphore_mem>>)
    }
    %scan3A_11 = arith.constant 40 : i32
    %dma_wait3A = arith.constant 0 : i32
    %dma_wait3A_12 = arith.constant 0 : i32
    %dma_wait3A_13 = tpu.memref_slice %arg5[%dma_wait3A, %dma_wait3A_12] : memref<163840x128xi32, #tpu.memory_space<hbm>> -> memref<64x128xi32, #tpu.memory_space<hbm>>
    %dma_wait3A_14 = arith.constant 0 : i32
    %dma_wait3A_15 = arith.constant 0 : i32
    %dma_wait3A_16 = tpu.memref_slice %arg5[%dma_wait3A_14, %dma_wait3A_15] : memref<163840x128xi32, #tpu.memory_space<hbm>> -> memref<64x128xi32, #tpu.memory_space<hbm>>
    tpu.wait_dma2 semaphore(%arg16 : memref<!tpu.dma_semaphore, #tpu.memory_space<semaphore_mem>>) src(%dma_wait3A_16 : memref<64x128xi32, #tpu.memory_space<hbm>>) dst(%arg10 : memref<64x128xi32, #tpu.memory_space<vmem>>)
    return
  }
}

#map = affine_map<(d0, d1) -> (0, 0)>
#map1 = affine_map<(d0, d1) -> (0, 0, 0)>
module attributes {stable_mosaic.version = 14 : i64} {
  func.func @scatter_k(%arg0: i32, %arg1: i32, %arg2: memref<163840x128xf32, #tpu.memory_space<hbm>>, %arg3: memref<32x40x128xi32, #tpu.memory_space<hbm>>, %arg4: memref<2x10240x128xf32, #tpu.memory_space<hbm>>, %arg5: memref<2x10240x128xf32, #tpu.memory_space<hbm>>, %arg6: memref<40x128xi32, #tpu.memory_space<vmem>>, %arg7: memref<2x128x128xf32, #tpu.memory_space<vmem>>, %arg8: memref<10240x128xf32, #tpu.memory_space<vmem_shared>>, %arg9: memref<!tpu.dma_semaphore, #tpu.memory_space<semaphore_mem>>, %arg10: memref<!tpu.dma_semaphore, #tpu.memory_space<semaphore_mem>>, %arg11: memref<!tpu.dma_semaphore, #tpu.memory_space<semaphore_mem>>, %arg12: memref<!tpu.dma_semaphore, #tpu.memory_space<semaphore_mem>>) attributes {dimension_semantics = [#tpu.dimension_semantics<core_parallel>, #tpu.dimension_semantics<subcore_parallel>], iteration_bounds = array<i64: 2, 16>, scalar_prefetch = 0 : i64, scratch_operands = 7 : i64, tpu.core_type = #tpu.core_type<sc_vector_subcore>, window_params = [{transform_indices = #map}, {transform_indices = #map1}, {transform_indices = #map1}, {transform_indices = #map1}]} {
    %mul3A = arith.constant 2 : i32
    %mul3A_0 = arith.muli %arg1, %mul3A : i32
    %add3A = arith.addi %mul3A_0, %arg0 : i32
    %mul3A_1 = arith.constant 40 : i32
    %mul3A_2 = arith.muli %add3A, %mul3A_1 : i32
    %mul3A_3 = arith.constant 128 : i32
    %mul3A_4 = arith.muli %mul3A_2, %mul3A_3 : i32
    %mul3A_5 = arith.constant 640 : i32
    %mul3A_6 = arith.muli %arg1, %mul3A_5 : i32
    "tpu.region"() ({
      %run_scoped3A = tpu.sem_alloc : memref<!tpu.dma_semaphore, #tpu.memory_space<semaphore_mem>>
      %dma_start3A = arith.constant 0 : i32
      %dma_start3A_42 = tpu.memref_slice %arg8[%mul3A_6, %dma_start3A] : memref<10240x128xf32, #tpu.memory_space<vmem_shared>> -> memref<640x128xf32, #tpu.memory_space<vmem_shared>>
      %dma_start3A_43 = arith.constant 0 : i32
      %dma_start3A_44 = arith.constant 0 : i32
      %dma_start3A_45 = tpu.memref_slice %arg4[%arg0, %dma_start3A_43, %dma_start3A_44] : memref<2x10240x128xf32, #tpu.memory_space<hbm>> -> memref<1x10240x128xf32, #tpu.memory_space<hbm>>
      %dma_start3A_46 = tpu.memref_squeeze %dma_start3A_45 : memref<1x10240x128xf32, #tpu.memory_space<hbm>> -> memref<10240x128xf32, #tpu.memory_space<hbm>>
      %dma_start3A_47 = arith.constant 0 : i32
      %dma_start3A_48 = tpu.memref_slice %dma_start3A_46[%mul3A_6, %dma_start3A_47] : memref<10240x128xf32, #tpu.memory_space<hbm>> -> memref<640x128xf32, #tpu.memory_space<hbm>>
      tpu.enqueue_dma source(%dma_start3A_48 : memref<640x128xf32, #tpu.memory_space<hbm>>) target(%dma_start3A_42 : memref<640x128xf32, #tpu.memory_space<vmem_shared>>) target_semaphore(%run_scoped3A : memref<!tpu.dma_semaphore, #tpu.memory_space<semaphore_mem>>)
      %dma_wait3A_49 = arith.constant 0 : i32
      %dma_wait3A_50 = tpu.memref_slice %arg8[%mul3A_6, %dma_wait3A_49] : memref<10240x128xf32, #tpu.memory_space<vmem_shared>> -> memref<640x128xf32, #tpu.memory_space<vmem_shared>>
      %dma_wait3A_51 = arith.constant 0 : i32
      %dma_wait3A_52 = arith.constant 0 : i32
      %dma_wait3A_53 = tpu.memref_slice %arg4[%arg0, %dma_wait3A_51, %dma_wait3A_52] : memref<2x10240x128xf32, #tpu.memory_space<hbm>> -> memref<1x10240x128xf32, #tpu.memory_space<hbm>>
      %dma_wait3A_54 = tpu.memref_squeeze %dma_wait3A_53 : memref<1x10240x128xf32, #tpu.memory_space<hbm>> -> memref<10240x128xf32, #tpu.memory_space<hbm>>
      %dma_wait3A_55 = arith.constant 0 : i32
      %dma_wait3A_56 = tpu.memref_slice %dma_wait3A_54[%mul3A_6, %dma_wait3A_55] : memref<10240x128xf32, #tpu.memory_space<hbm>> -> memref<640x128xf32, #tpu.memory_space<hbm>>
      tpu.wait_dma2 semaphore(%run_scoped3A : memref<!tpu.dma_semaphore, #tpu.memory_space<semaphore_mem>>) src(%dma_wait3A_56 : memref<640x128xf32, #tpu.memory_space<hbm>>) dst(%dma_wait3A_50 : memref<640x128xf32, #tpu.memory_space<vmem_shared>>)
      tpu.yield
    }) : () -> ()
    "tpu.region"() ({
      %run_scoped3A = tpu.sem_alloc : memref<!tpu.dma_semaphore, #tpu.memory_space<semaphore_mem>>
      %dma_start3A = arith.constant 0 : i32
      %dma_start3A_42 = arith.constant 0 : i32
      %dma_start3A_43 = tpu.memref_slice %arg3[%add3A, %dma_start3A, %dma_start3A_42] : memref<32x40x128xi32, #tpu.memory_space<hbm>> -> memref<1x40x128xi32, #tpu.memory_space<hbm>>
      %dma_start3A_44 = tpu.memref_squeeze %dma_start3A_43 : memref<1x40x128xi32, #tpu.memory_space<hbm>> -> memref<40x128xi32, #tpu.memory_space<hbm>>
      %dma_start3A_45 = arith.constant 0 : i32
      %dma_start3A_46 = arith.constant 0 : i32
      %dma_start3A_47 = tpu.memref_slice %arg3[%add3A, %dma_start3A_45, %dma_start3A_46] : memref<32x40x128xi32, #tpu.memory_space<hbm>> -> memref<1x40x128xi32, #tpu.memory_space<hbm>>
      %dma_start3A_48 = tpu.memref_squeeze %dma_start3A_47 : memref<1x40x128xi32, #tpu.memory_space<hbm>> -> memref<40x128xi32, #tpu.memory_space<hbm>>
      tpu.enqueue_dma source(%dma_start3A_48 : memref<40x128xi32, #tpu.memory_space<hbm>>) target(%arg6 : memref<40x128xi32, #tpu.memory_space<vmem>>) target_semaphore(%run_scoped3A : memref<!tpu.dma_semaphore, #tpu.memory_space<semaphore_mem>>)
      %dma_wait3A_49 = arith.constant 0 : i32
      %dma_wait3A_50 = arith.constant 0 : i32
      %dma_wait3A_51 = tpu.memref_slice %arg3[%add3A, %dma_wait3A_49, %dma_wait3A_50] : memref<32x40x128xi32, #tpu.memory_space<hbm>> -> memref<1x40x128xi32, #tpu.memory_space<hbm>>
      %dma_wait3A_52 = tpu.memref_squeeze %dma_wait3A_51 : memref<1x40x128xi32, #tpu.memory_space<hbm>> -> memref<40x128xi32, #tpu.memory_space<hbm>>
      %dma_wait3A_53 = arith.constant 0 : i32
      %dma_wait3A_54 = arith.constant 0 : i32
      %dma_wait3A_55 = tpu.memref_slice %arg3[%add3A, %dma_wait3A_53, %dma_wait3A_54] : memref<32x40x128xi32, #tpu.memory_space<hbm>> -> memref<1x40x128xi32, #tpu.memory_space<hbm>>
      %dma_wait3A_56 = tpu.memref_squeeze %dma_wait3A_55 : memref<1x40x128xi32, #tpu.memory_space<hbm>> -> memref<40x128xi32, #tpu.memory_space<hbm>>
      tpu.wait_dma2 semaphore(%run_scoped3A : memref<!tpu.dma_semaphore, #tpu.memory_space<semaphore_mem>>) src(%dma_wait3A_56 : memref<40x128xi32, #tpu.memory_space<hbm>>) dst(%arg6 : memref<40x128xi32, #tpu.memory_space<vmem>>)
      tpu.yield
    }) : () -> ()
    %barrier3A = arith.constant 0 : index
    tpu.barrier barrier_id(%barrier3A)
    %scan3A = arith.constant 0 : i32
    %scan3A_7 = arith.constant 0 : i32
    %scan3A_8 = arith.constant 20 : i32
    %scan3A_9 = arith.addi %scan3A_7, %scan3A_8 : i32
    %scan3A_10 = arith.constant 1 : i32
    scf.for %scan3A_42 = %scan3A_7 to %scan3A_9 step %scan3A_10  : i32 {
      %mul3A_43 = arith.constant 2 : i32
      %mul3A_44 = arith.muli %scan3A_42, %mul3A_43 : i32
      %gt3A = arith.constant 0 : i32
      %gt3A_45 = arith.cmpi sgt, %scan3A_42, %gt3A : i32
      %convert_element_type3A = arith.extui %gt3A_45 : i1 to i32
      %cond3A = arith.constant 0 : i32
      %cond3A_46 = arith.cmpi ne, %convert_element_type3A, %cond3A : i32
      scf.if %cond3A_46 {
        %dma_wait3A_134 = arith.constant 0 : i32
        %dma_wait3A_135 = arith.constant 0 : i32
        %dma_wait3A_136 = arith.constant 0 : i32
        %dma_wait3A_137 = tpu.memref_slice %arg7[%dma_wait3A_134, %dma_wait3A_135, %dma_wait3A_136] : memref<2x128x128xf32, #tpu.memory_space<vmem>> -> memref<1x128x128xf32, #tpu.memory_space<vmem>>
        %dma_wait3A_138 = tpu.memref_squeeze %dma_wait3A_137 : memref<1x128x128xf32, #tpu.memory_space<vmem>> -> memref<128x128xf32, #tpu.memory_space<vmem>>
        %dma_wait3A_139 = arith.constant 0 : i32
        %dma_wait3A_140 = arith.constant 0 : i32
        %dma_wait3A_141 = tpu.memref_slice %arg2[%dma_wait3A_139, %dma_wait3A_140] : memref<163840x128xf32, #tpu.memory_space<hbm>> -> memref<128x128xf32, #tpu.memory_space<hbm>>
        %dma_wait3A_142 = arith.constant 0 : i32
        %dma_wait3A_143 = arith.constant 0 : i32
        %dma_wait3A_144 = tpu.memref_slice %arg7[%dma_wait3A_134, %dma_wait3A_142, %dma_wait3A_143] : memref<2x128x128xf32, #tpu.memory_space<vmem>> -> memref<1x128x128xf32, #tpu.memory_space<vmem>>
        %dma_wait3A_145 = tpu.memref_squeeze %dma_wait3A_144 : memref<1x128x128xf32, #tpu.memory_space<vmem>> -> memref<128x128xf32, #tpu.memory_space<vmem>>
        %dma_wait3A_146 = arith.constant 0 : i32
        %dma_wait3A_147 = arith.constant 0 : i32
        %dma_wait3A_148 = tpu.memref_slice %arg2[%dma_wait3A_146, %dma_wait3A_147] : memref<163840x128xf32, #tpu.memory_space<hbm>> -> memref<128x128xf32, #tpu.memory_space<hbm>>
        tpu.wait_dma2 semaphore(%arg11 : memref<!tpu.dma_semaphore, #tpu.memory_space<semaphore_mem>>) src(%dma_wait3A_148 : memref<128x128xf32, #tpu.memory_space<hbm>>) dst(%dma_wait3A_145 : memref<128x128xf32, #tpu.memory_space<vmem>>)
        %dma_wait3A_149 = arith.constant 1 : i32
        %dma_wait3A_150 = arith.constant 0 : i32
        %dma_wait3A_151 = arith.constant 0 : i32
        %dma_wait3A_152 = tpu.memref_slice %arg7[%dma_wait3A_149, %dma_wait3A_150, %dma_wait3A_151] : memref<2x128x128xf32, #tpu.memory_space<vmem>> -> memref<1x128x128xf32, #tpu.memory_space<vmem>>
        %dma_wait3A_153 = tpu.memref_squeeze %dma_wait3A_152 : memref<1x128x128xf32, #tpu.memory_space<vmem>> -> memref<128x128xf32, #tpu.memory_space<vmem>>
        %dma_wait3A_154 = arith.constant 0 : i32
        %dma_wait3A_155 = arith.constant 0 : i32
        %dma_wait3A_156 = tpu.memref_slice %arg2[%dma_wait3A_154, %dma_wait3A_155] : memref<163840x128xf32, #tpu.memory_space<hbm>> -> memref<128x128xf32, #tpu.memory_space<hbm>>
        %dma_wait3A_157 = arith.constant 0 : i32
        %dma_wait3A_158 = arith.constant 0 : i32
        %dma_wait3A_159 = tpu.memref_slice %arg7[%dma_wait3A_149, %dma_wait3A_157, %dma_wait3A_158] : memref<2x128x128xf32, #tpu.memory_space<vmem>> -> memref<1x128x128xf32, #tpu.memory_space<vmem>>
        %dma_wait3A_160 = tpu.memref_squeeze %dma_wait3A_159 : memref<1x128x128xf32, #tpu.memory_space<vmem>> -> memref<128x128xf32, #tpu.memory_space<vmem>>
        %dma_wait3A_161 = arith.constant 0 : i32
        %dma_wait3A_162 = arith.constant 0 : i32
        %dma_wait3A_163 = tpu.memref_slice %arg2[%dma_wait3A_161, %dma_wait3A_162] : memref<163840x128xf32, #tpu.memory_space<hbm>> -> memref<128x128xf32, #tpu.memory_space<hbm>>
        tpu.wait_dma2 semaphore(%arg12 : memref<!tpu.dma_semaphore, #tpu.memory_space<semaphore_mem>>) src(%dma_wait3A_163 : memref<128x128xf32, #tpu.memory_space<hbm>>) dst(%dma_wait3A_160 : memref<128x128xf32, #tpu.memory_space<vmem>>)
      } else {
      }
      %add3A_47 = arith.constant 0 : i32
      %add3A_48 = arith.addi %mul3A_44, %add3A_47 : i32
      %mul3A_49 = arith.constant 128 : i32
      %mul3A_50 = arith.muli %add3A_48, %mul3A_49 : i32
      %add3A_51 = arith.addi %mul3A_4, %mul3A_50 : i32
      %dma_start3A = arith.constant 0 : i32
      %dma_start3A_52 = arith.constant 0 : i32
      %dma_start3A_53 = arith.constant 0 : i32
      %dma_start3A_54 = tpu.memref_slice %arg7[%dma_start3A, %dma_start3A_52, %dma_start3A_53] : memref<2x128x128xf32, #tpu.memory_space<vmem>> -> memref<1x128x128xf32, #tpu.memory_space<vmem>>
      %dma_start3A_55 = tpu.memref_squeeze %dma_start3A_54 : memref<1x128x128xf32, #tpu.memory_space<vmem>> -> memref<128x128xf32, #tpu.memory_space<vmem>>
      %dma_start3A_56 = arith.constant 0 : i32
      %dma_start3A_57 = tpu.memref_slice %arg2[%add3A_51, %dma_start3A_56] : memref<163840x128xf32, #tpu.memory_space<hbm>> -> memref<128x128xf32, #tpu.memory_space<hbm>>
      %dma_start3A_58 = arith.constant 0 : i32
      %dma_start3A_59 = arith.constant 0 : i32
      %dma_start3A_60 = tpu.memref_slice %arg7[%dma_start3A, %dma_start3A_58, %dma_start3A_59] : memref<2x128x128xf32, #tpu.memory_space<vmem>> -> memref<1x128x128xf32, #tpu.memory_space<vmem>>
      %dma_start3A_61 = tpu.memref_squeeze %dma_start3A_60 : memref<1x128x128xf32, #tpu.memory_space<vmem>> -> memref<128x128xf32, #tpu.memory_space<vmem>>
      %dma_start3A_62 = arith.constant 0 : i32
      %dma_start3A_63 = tpu.memref_slice %arg2[%add3A_51, %dma_start3A_62] : memref<163840x128xf32, #tpu.memory_space<hbm>> -> memref<128x128xf32, #tpu.memory_space<hbm>>
      tpu.enqueue_dma source(%dma_start3A_63 : memref<128x128xf32, #tpu.memory_space<hbm>>) target(%dma_start3A_61 : memref<128x128xf32, #tpu.memory_space<vmem>>) target_semaphore(%arg9 : memref<!tpu.dma_semaphore, #tpu.memory_space<semaphore_mem>>)
      %add3A_64 = arith.constant 1 : i32
      %add3A_65 = arith.addi %mul3A_44, %add3A_64 : i32
      %mul3A_66 = arith.constant 128 : i32
      %mul3A_67 = arith.muli %add3A_65, %mul3A_66 : i32
      %add3A_68 = arith.addi %mul3A_4, %mul3A_67 : i32
      %dma_start3A_69 = arith.constant 1 : i32
      %dma_start3A_70 = arith.constant 0 : i32
      %dma_start3A_71 = arith.constant 0 : i32
      %dma_start3A_72 = tpu.memref_slice %arg7[%dma_start3A_69, %dma_start3A_70, %dma_start3A_71] : memref<2x128x128xf32, #tpu.memory_space<vmem>> -> memref<1x128x128xf32, #tpu.memory_space<vmem>>
      %dma_start3A_73 = tpu.memref_squeeze %dma_start3A_72 : memref<1x128x128xf32, #tpu.memory_space<vmem>> -> memref<128x128xf32, #tpu.memory_space<vmem>>
      %dma_start3A_74 = arith.constant 0 : i32
      %dma_start3A_75 = tpu.memref_slice %arg2[%add3A_68, %dma_start3A_74] : memref<163840x128xf32, #tpu.memory_space<hbm>> -> memref<128x128xf32, #tpu.memory_space<hbm>>
      %dma_start3A_76 = arith.constant 0 : i32
      %dma_start3A_77 = arith.constant 0 : i32
      %dma_start3A_78 = tpu.memref_slice %arg7[%dma_start3A_69, %dma_start3A_76, %dma_start3A_77] : memref<2x128x128xf32, #tpu.memory_space<vmem>> -> memref<1x128x128xf32, #tpu.memory_space<vmem>>
      %dma_start3A_79 = tpu.memref_squeeze %dma_start3A_78 : memref<1x128x128xf32, #tpu.memory_space<vmem>> -> memref<128x128xf32, #tpu.memory_space<vmem>>
      %dma_start3A_80 = arith.constant 0 : i32
      %dma_start3A_81 = tpu.memref_slice %arg2[%add3A_68, %dma_start3A_80] : memref<163840x128xf32, #tpu.memory_space<hbm>> -> memref<128x128xf32, #tpu.memory_space<hbm>>
      tpu.enqueue_dma source(%dma_start3A_81 : memref<128x128xf32, #tpu.memory_space<hbm>>) target(%dma_start3A_79 : memref<128x128xf32, #tpu.memory_space<vmem>>) target_semaphore(%arg10 : memref<!tpu.dma_semaphore, #tpu.memory_space<semaphore_mem>>)
      %dma_wait3A_82 = arith.constant 0 : i32
      %dma_wait3A_83 = arith.constant 0 : i32
      %dma_wait3A_84 = arith.constant 0 : i32
      %dma_wait3A_85 = tpu.memref_slice %arg7[%dma_wait3A_82, %dma_wait3A_83, %dma_wait3A_84] : memref<2x128x128xf32, #tpu.memory_space<vmem>> -> memref<1x128x128xf32, #tpu.memory_space<vmem>>
      %dma_wait3A_86 = tpu.memref_squeeze %dma_wait3A_85 : memref<1x128x128xf32, #tpu.memory_space<vmem>> -> memref<128x128xf32, #tpu.memory_space<vmem>>
      %dma_wait3A_87 = arith.constant 0 : i32
      %dma_wait3A_88 = tpu.memref_slice %arg2[%add3A_51, %dma_wait3A_87] : memref<163840x128xf32, #tpu.memory_space<hbm>> -> memref<128x128xf32, #tpu.memory_space<hbm>>
      %dma_wait3A_89 = arith.constant 0 : i32
      %dma_wait3A_90 = arith.constant 0 : i32
      %dma_wait3A_91 = tpu.memref_slice %arg7[%dma_wait3A_82, %dma_wait3A_89, %dma_wait3A_90] : memref<2x128x128xf32, #tpu.memory_space<vmem>> -> memref<1x128x128xf32, #tpu.memory_space<vmem>>
      %dma_wait3A_92 = tpu.memref_squeeze %dma_wait3A_91 : memref<1x128x128xf32, #tpu.memory_space<vmem>> -> memref<128x128xf32, #tpu.memory_space<vmem>>
      %dma_wait3A_93 = arith.constant 0 : i32
      %dma_wait3A_94 = tpu.memref_slice %arg2[%add3A_51, %dma_wait3A_93] : memref<163840x128xf32, #tpu.memory_space<hbm>> -> memref<128x128xf32, #tpu.memory_space<hbm>>
      tpu.wait_dma2 semaphore(%arg9 : memref<!tpu.dma_semaphore, #tpu.memory_space<semaphore_mem>>) src(%dma_wait3A_94 : memref<128x128xf32, #tpu.memory_space<hbm>>) dst(%dma_wait3A_92 : memref<128x128xf32, #tpu.memory_space<vmem>>)
      %add3A_95 = arith.constant 0 : i32
      %add3A_96 = arith.addi %mul3A_44, %add3A_95 : i32
      %dma_start3A_97 = arith.constant 0 : i32
      %dma_start3A_98 = arith.constant 0 : i32
      %dma_start3A_99 = arith.constant 0 : i32
      %dma_start3A_100 = tpu.memref_slice %arg7[%dma_start3A_97, %dma_start3A_98, %dma_start3A_99] : memref<2x128x128xf32, #tpu.memory_space<vmem>> -> memref<1x128x128xf32, #tpu.memory_space<vmem>>
      %dma_start3A_101 = tpu.memref_squeeze %dma_start3A_100 : memref<1x128x128xf32, #tpu.memory_space<vmem>> -> memref<128x128xf32, #tpu.memory_space<vmem>>
      %dma_start3A_102 = arith.constant 0 : i32
      %dma_start3A_103 = tpu.memref_slice %arg6[%add3A_96, %dma_start3A_102] : memref<40x128xi32, #tpu.memory_space<vmem>> -> memref<1x128xi32, #tpu.memory_space<vmem>>
      %dma_start3A_104 = tpu.memref_squeeze %dma_start3A_103 : memref<1x128xi32, #tpu.memory_space<vmem>> -> memref<128xi32, #tpu.memory_space<vmem>>
      %dma_start3A_105 = arith.constant 0 : i32
      %dma_start3A_106 = arith.constant 0 : i32
      %dma_start3A_107 = tpu.memref_slice %arg8[%dma_start3A_105, %dma_start3A_106] : memref<10240x128xf32, #tpu.memory_space<vmem_shared>> -> memref<10240x128xf32, #tpu.memory_space<vmem_shared>>
      tpu.enqueue_indirect_dma source(%dma_start3A_101 : memref<128x128xf32, #tpu.memory_space<vmem>>) target(%dma_start3A_107 : memref<10240x128xf32, #tpu.memory_space<vmem_shared>>) offsets(%dma_start3A_104 : memref<128xi32, #tpu.memory_space<vmem>>) semaphore(%arg11 : memref<!tpu.dma_semaphore, #tpu.memory_space<semaphore_mem>>) {add = true}
      %dma_wait3A_108 = arith.constant 1 : i32
      %dma_wait3A_109 = arith.constant 0 : i32
      %dma_wait3A_110 = arith.constant 0 : i32
      %dma_wait3A_111 = tpu.memref_slice %arg7[%dma_wait3A_108, %dma_wait3A_109, %dma_wait3A_110] : memref<2x128x128xf32, #tpu.memory_space<vmem>> -> memref<1x128x128xf32, #tpu.memory_space<vmem>>
      %dma_wait3A_112 = tpu.memref_squeeze %dma_wait3A_111 : memref<1x128x128xf32, #tpu.memory_space<vmem>> -> memref<128x128xf32, #tpu.memory_space<vmem>>
      %dma_wait3A_113 = arith.constant 0 : i32
      %dma_wait3A_114 = tpu.memref_slice %arg2[%add3A_68, %dma_wait3A_113] : memref<163840x128xf32, #tpu.memory_space<hbm>> -> memref<128x128xf32, #tpu.memory_space<hbm>>
      %dma_wait3A_115 = arith.constant 0 : i32
      %dma_wait3A_116 = arith.constant 0 : i32
      %dma_wait3A_117 = tpu.memref_slice %arg7[%dma_wait3A_108, %dma_wait3A_115, %dma_wait3A_116] : memref<2x128x128xf32, #tpu.memory_space<vmem>> -> memref<1x128x128xf32, #tpu.memory_space<vmem>>
      %dma_wait3A_118 = tpu.memref_squeeze %dma_wait3A_117 : memref<1x128x128xf32, #tpu.memory_space<vmem>> -> memref<128x128xf32, #tpu.memory_space<vmem>>
      %dma_wait3A_119 = arith.constant 0 : i32
      %dma_wait3A_120 = tpu.memref_slice %arg2[%add3A_68, %dma_wait3A_119] : memref<163840x128xf32, #tpu.memory_space<hbm>> -> memref<128x128xf32, #tpu.memory_space<hbm>>
      tpu.wait_dma2 semaphore(%arg10 : memref<!tpu.dma_semaphore, #tpu.memory_space<semaphore_mem>>) src(%dma_wait3A_120 : memref<128x128xf32, #tpu.memory_space<hbm>>) dst(%dma_wait3A_118 : memref<128x128xf32, #tpu.memory_space<vmem>>)
      %add3A_121 = arith.constant 1 : i32
      %add3A_122 = arith.addi %mul3A_44, %add3A_121 : i32
      %dma_start3A_123 = arith.constant 1 : i32
      %dma_start3A_124 = arith.constant 0 : i32
      %dma_start3A_125 = arith.constant 0 : i32
      %dma_start3A_126 = tpu.memref_slice %arg7[%dma_start3A_123, %dma_start3A_124, %dma_start3A_125] : memref<2x128x128xf32, #tpu.memory_space<vmem>> -> memref<1x128x128xf32, #tpu.memory_space<vmem>>
      %dma_start3A_127 = tpu.memref_squeeze %dma_start3A_126 : memref<1x128x128xf32, #tpu.memory_space<vmem>> -> memref<128x128xf32, #tpu.memory_space<vmem>>
      %dma_start3A_128 = arith.constant 0 : i32
      %dma_start3A_129 = tpu.memref_slice %arg6[%add3A_122, %dma_start3A_128] : memref<40x128xi32, #tpu.memory_space<vmem>> -> memref<1x128xi32, #tpu.memory_space<vmem>>
      %dma_start3A_130 = tpu.memref_squeeze %dma_start3A_129 : memref<1x128xi32, #tpu.memory_space<vmem>> -> memref<128xi32, #tpu.memory_space<vmem>>
      %dma_start3A_131 = arith.constant 0 : i32
      %dma_start3A_132 = arith.constant 0 : i32
      %dma_start3A_133 = tpu.memref_slice %arg8[%dma_start3A_131, %dma_start3A_132] : memref<10240x128xf32, #tpu.memory_space<vmem_shared>> -> memref<10240x128xf32, #tpu.memory_space<vmem_shared>>
      tpu.enqueue_indirect_dma source(%dma_start3A_127 : memref<128x128xf32, #tpu.memory_space<vmem>>) target(%dma_start3A_133 : memref<10240x128xf32, #tpu.memory_space<vmem_shared>>) offsets(%dma_start3A_130 : memref<128xi32, #tpu.memory_space<vmem>>) semaphore(%arg12 : memref<!tpu.dma_semaphore, #tpu.memory_space<semaphore_mem>>) {add = true}
    }
    %scan3A_11 = arith.constant 20 : i32
    %dma_wait3A = arith.constant 0 : i32
    %dma_wait3A_12 = arith.constant 0 : i32
    %dma_wait3A_13 = arith.constant 0 : i32
    %dma_wait3A_14 = tpu.memref_slice %arg7[%dma_wait3A, %dma_wait3A_12, %dma_wait3A_13] : memref<2x128x128xf32, #tpu.memory_space<vmem>> -> memref<1x128x128xf32, #tpu.memory_space<vmem>>
    %dma_wait3A_15 = tpu.memref_squeeze %dma_wait3A_14 : memref<1x128x128xf32, #tpu.memory_space<vmem>> -> memref<128x128xf32, #tpu.memory_space<vmem>>
    %dma_wait3A_16 = arith.constant 0 : i32
    %dma_wait3A_17 = arith.constant 0 : i32
    %dma_wait3A_18 = tpu.memref_slice %arg2[%dma_wait3A_16, %dma_wait3A_17] : memref<163840x128xf32, #tpu.memory_space<hbm>> -> memref<128x128xf32, #tpu.memory_space<hbm>>
    %dma_wait3A_19 = arith.constant 0 : i32
    %dma_wait3A_20 = arith.constant 0 : i32
    %dma_wait3A_21 = tpu.memref_slice %arg7[%dma_wait3A, %dma_wait3A_19, %dma_wait3A_20] : memref<2x128x128xf32, #tpu.memory_space<vmem>> -> memref<1x128x128xf32, #tpu.memory_space<vmem>>
    %dma_wait3A_22 = tpu.memref_squeeze %dma_wait3A_21 : memref<1x128x128xf32, #tpu.memory_space<vmem>> -> memref<128x128xf32, #tpu.memory_space<vmem>>
    %dma_wait3A_23 = arith.constant 0 : i32
    %dma_wait3A_24 = arith.constant 0 : i32
    %dma_wait3A_25 = tpu.memref_slice %arg2[%dma_wait3A_23, %dma_wait3A_24] : memref<163840x128xf32, #tpu.memory_space<hbm>> -> memref<128x128xf32, #tpu.memory_space<hbm>>
    tpu.wait_dma2 semaphore(%arg11 : memref<!tpu.dma_semaphore, #tpu.memory_space<semaphore_mem>>) src(%dma_wait3A_25 : memref<128x128xf32, #tpu.memory_space<hbm>>) dst(%dma_wait3A_22 : memref<128x128xf32, #tpu.memory_space<vmem>>)
    %dma_wait3A_26 = arith.constant 1 : i32
    %dma_wait3A_27 = arith.constant 0 : i32
    %dma_wait3A_28 = arith.constant 0 : i32
    %dma_wait3A_29 = tpu.memref_slice %arg7[%dma_wait3A_26, %dma_wait3A_27, %dma_wait3A_28] : memref<2x128x128xf32, #tpu.memory_space<vmem>> -> memref<1x128x128xf32, #tpu.memory_space<vmem>>
    %dma_wait3A_30 = tpu.memref_squeeze %dma_wait3A_29 : memref<1x128x128xf32, #tpu.memory_space<vmem>> -> memref<128x128xf32, #tpu.memory_space<vmem>>
    %dma_wait3A_31 = arith.constant 0 : i32
    %dma_wait3A_32 = arith.constant 0 : i32
    %dma_wait3A_33 = tpu.memref_slice %arg2[%dma_wait3A_31, %dma_wait3A_32] : memref<163840x128xf32, #tpu.memory_space<hbm>> -> memref<128x128xf32, #tpu.memory_space<hbm>>
    %dma_wait3A_34 = arith.constant 0 : i32
    %dma_wait3A_35 = arith.constant 0 : i32
    %dma_wait3A_36 = tpu.memref_slice %arg7[%dma_wait3A_26, %dma_wait3A_34, %dma_wait3A_35] : memref<2x128x128xf32, #tpu.memory_space<vmem>> -> memref<1x128x128xf32, #tpu.memory_space<vmem>>
    %dma_wait3A_37 = tpu.memref_squeeze %dma_wait3A_36 : memref<1x128x128xf32, #tpu.memory_space<vmem>> -> memref<128x128xf32, #tpu.memory_space<vmem>>
    %dma_wait3A_38 = arith.constant 0 : i32
    %dma_wait3A_39 = arith.constant 0 : i32
    %dma_wait3A_40 = tpu.memref_slice %arg2[%dma_wait3A_38, %dma_wait3A_39] : memref<163840x128xf32, #tpu.memory_space<hbm>> -> memref<128x128xf32, #tpu.memory_space<hbm>>
    tpu.wait_dma2 semaphore(%arg12 : memref<!tpu.dma_semaphore, #tpu.memory_space<semaphore_mem>>) src(%dma_wait3A_40 : memref<128x128xf32, #tpu.memory_space<hbm>>) dst(%dma_wait3A_37 : memref<128x128xf32, #tpu.memory_space<vmem>>)
    %barrier3A_41 = arith.constant 0 : index
    tpu.barrier barrier_id(%barrier3A_41)
    "tpu.region"() ({
      %run_scoped3A = tpu.sem_alloc : memref<!tpu.dma_semaphore, #tpu.memory_space<semaphore_mem>>
      %dma_start3A = arith.constant 0 : i32
      %dma_start3A_42 = arith.constant 0 : i32
      %dma_start3A_43 = tpu.memref_slice %arg5[%arg0, %dma_start3A, %dma_start3A_42] : memref<2x10240x128xf32, #tpu.memory_space<hbm>> -> memref<1x10240x128xf32, #tpu.memory_space<hbm>>
      %dma_start3A_44 = tpu.memref_squeeze %dma_start3A_43 : memref<1x10240x128xf32, #tpu.memory_space<hbm>> -> memref<10240x128xf32, #tpu.memory_space<hbm>>
      %dma_start3A_45 = arith.constant 0 : i32
      %dma_start3A_46 = tpu.memref_slice %dma_start3A_44[%mul3A_6, %dma_start3A_45] : memref<10240x128xf32, #tpu.memory_space<hbm>> -> memref<640x128xf32, #tpu.memory_space<hbm>>
      %dma_start3A_47 = arith.constant 0 : i32
      %dma_start3A_48 = tpu.memref_slice %arg8[%mul3A_6, %dma_start3A_47] : memref<10240x128xf32, #tpu.memory_space<vmem_shared>> -> memref<640x128xf32, #tpu.memory_space<vmem_shared>>
      tpu.enqueue_dma source(%dma_start3A_48 : memref<640x128xf32, #tpu.memory_space<vmem_shared>>) target(%dma_start3A_46 : memref<640x128xf32, #tpu.memory_space<hbm>>) target_semaphore(%run_scoped3A : memref<!tpu.dma_semaphore, #tpu.memory_space<semaphore_mem>>)
      %dma_wait3A_49 = arith.constant 0 : i32
      %dma_wait3A_50 = arith.constant 0 : i32
      %dma_wait3A_51 = tpu.memref_slice %arg5[%arg0, %dma_wait3A_49, %dma_wait3A_50] : memref<2x10240x128xf32, #tpu.memory_space<hbm>> -> memref<1x10240x128xf32, #tpu.memory_space<hbm>>
      %dma_wait3A_52 = tpu.memref_squeeze %dma_wait3A_51 : memref<1x10240x128xf32, #tpu.memory_space<hbm>> -> memref<10240x128xf32, #tpu.memory_space<hbm>>
      %dma_wait3A_53 = arith.constant 0 : i32
      %dma_wait3A_54 = tpu.memref_slice %dma_wait3A_52[%mul3A_6, %dma_wait3A_53] : memref<10240x128xf32, #tpu.memory_space<hbm>> -> memref<640x128xf32, #tpu.memory_space<hbm>>
      %dma_wait3A_55 = arith.constant 0 : i32
      %dma_wait3A_56 = tpu.memref_slice %arg8[%mul3A_6, %dma_wait3A_55] : memref<10240x128xf32, #tpu.memory_space<vmem_shared>> -> memref<640x128xf32, #tpu.memory_space<vmem_shared>>
      tpu.wait_dma2 semaphore(%run_scoped3A : memref<!tpu.dma_semaphore, #tpu.memory_space<semaphore_mem>>) src(%dma_wait3A_56 : memref<640x128xf32, #tpu.memory_space<vmem_shared>>) dst(%dma_wait3A_54 : memref<640x128xf32, #tpu.memory_space<hbm>>)
      tpu.yield
    }) : () -> ()
    return
  }
}

module attributes {stable_mosaic.version = 14 : i64} {
  func.func @_node_pre_body(%arg0: i32, %arg1: memref<1024x128xf32, #tpu.memory_space<vmem>>, %arg2: memref<1024x128xf32, #tpu.memory_space<vmem>>, %arg3: memref<128x128xf32, #tpu.memory_space<vmem>>, %arg4: memref<1x128xf32, #tpu.memory_space<vmem>>, %arg5: memref<1x128xf32, #tpu.memory_space<vmem>>, %arg6: memref<128x128xf32, #tpu.memory_space<vmem>>, %arg7: memref<128x128xf32, #tpu.memory_space<vmem>>, %arg8: memref<128x128xf32, #tpu.memory_space<vmem>>, %arg9: memref<1024x128xi32, #tpu.memory_space<vmem>>, %arg10: memref<1024x128xf32, #tpu.memory_space<vmem>>) attributes {dimension_semantics = [#tpu.dimension_semantics<arbitrary>], iteration_bounds = array<i64: 10>, scalar_prefetch = 0 : i64, scratch_operands = 0 : i64, tpu.core_type = #tpu.core_type<tc>, window_params = [{transform_indices = @transform_0, window_bounds = array<i64: 1024, 128>}, {transform_indices = @transform_1, window_bounds = array<i64: 1024, 128>}, {pipeline_mode = #tpu.pipeline_mode<synchronous>, transform_indices = @transform_2, window_bounds = array<i64: 128, 128>}, {pipeline_mode = #tpu.pipeline_mode<synchronous>, transform_indices = @transform_3, window_bounds = array<i64: 1, 128>}, {pipeline_mode = #tpu.pipeline_mode<synchronous>, transform_indices = @transform_4, window_bounds = array<i64: 1, 128>}, {pipeline_mode = #tpu.pipeline_mode<synchronous>, transform_indices = @transform_5, window_bounds = array<i64: 128, 128>}, {pipeline_mode = #tpu.pipeline_mode<synchronous>, transform_indices = @transform_6, window_bounds = array<i64: 128, 128>}, {pipeline_mode = #tpu.pipeline_mode<synchronous>, transform_indices = @transform_7, window_bounds = array<i64: 128, 128>}, {transform_indices = @transform_8, window_bounds = array<i64: 1024, 128>}, {transform_indices = @transform_9, window_bounds = array<i64: 1024, 128>}]} {
    %get3A = arith.constant 0 : index
    %get3A_0 = arith.constant 0 : index
    %get3A_1 = vector.load %arg1[%get3A, %get3A_0] : memref<1024x128xf32, #tpu.memory_space<vmem>>, vector<1024x128xf32>
    %get3A_2 = arith.constant 0 : index
    %get3A_3 = arith.constant 0 : index
    %get3A_4 = vector.load %arg3[%get3A_2, %get3A_3] : memref<128x128xf32, #tpu.memory_space<vmem>>, vector<128x128xf32>
    %dot_general3A = arith.constant dense<0.000000e+00> : vector<1024x128xf32>
    %dot_general3A_5 = tpu.matmul %get3A_1, %get3A_4, %dot_general3A {dimension_numbers = #tpu.dot_dimension_numbers<[1], [0], [0], [1], [0, 0, 1, 1], [], []>, transpose_lhs_hint = false} : vector<1024x128xf32>, vector<128x128xf32>, vector<1024x128xf32> -> vector<1024x128xf32>
    %get3A_6 = arith.constant 0 : index
    %get3A_7 = arith.constant 0 : index
    %get3A_8 = vector.load %arg4[%get3A_6, %get3A_7] : memref<1x128xf32, #tpu.memory_space<vmem>>, vector<1x128xf32>
    %get3A_9 = arith.constant 0 : index
    %get3A_10 = arith.constant 0 : index
    %get3A_11 = vector.load %arg5[%get3A_9, %get3A_10] : memref<1x128xf32, #tpu.memory_space<vmem>>, vector<1x128xf32>
    %reduce_sum3A = arith.constant dense<0.000000e+00> : vector<1024xf32>
    %reduce_sum3A_12 = vector.multi_reduction <add>, %dot_general3A_5, %reduce_sum3A [1] : vector<1024x128xf32> to vector<1024xf32>
    %broadcast_in_dim3A = vector.shape_cast %reduce_sum3A_12 : vector<1024xf32> to vector<1024x1xf32>
    %div3A = arith.constant 1.280000e+02 : f32
    %div3A_13 = vector.broadcast %div3A : f32 to vector<1024x1xf32>
    %div3A_14 = arith.divf %broadcast_in_dim3A, %div3A_13 : vector<1024x1xf32>
    %sub3A = vector.broadcast %div3A_14 : vector<1024x1xf32> to vector<1024x128xf32>
    %sub3A_15 = arith.subf %dot_general3A_5, %sub3A : vector<1024x128xf32>
    %integer_pow3A = arith.mulf %sub3A_15, %sub3A_15 : vector<1024x128xf32>
    %reduce_sum3A_16 = arith.constant dense<0.000000e+00> : vector<1024xf32>
    %reduce_sum3A_17 = vector.multi_reduction <add>, %integer_pow3A, %reduce_sum3A_16 [1] : vector<1024x128xf32> to vector<1024xf32>
    %broadcast_in_dim3A_18 = vector.shape_cast %reduce_sum3A_17 : vector<1024xf32> to vector<1024x1xf32>
    %div3A_19 = arith.constant 1.280000e+02 : f32
    %div3A_20 = vector.broadcast %div3A_19 : f32 to vector<1024x1xf32>
    %div3A_21 = arith.divf %broadcast_in_dim3A_18, %div3A_20 : vector<1024x1xf32>
    %sub3A_22 = vector.broadcast %div3A_14 : vector<1024x1xf32> to vector<1024x128xf32>
    %sub3A_23 = arith.subf %dot_general3A_5, %sub3A_22 : vector<1024x128xf32>
    %add3A = arith.constant 9.99999974E-6 : f32
    %add3A_24 = vector.broadcast %add3A : f32 to vector<1024x1xf32>
    %add3A_25 = arith.addf %div3A_21, %add3A_24 : vector<1024x1xf32>
    %sqrt3A = math.sqrt %add3A_25 : vector<1024x1xf32>
    %div3A_26 = vector.broadcast %sqrt3A : vector<1024x1xf32> to vector<1024x128xf32>
    %div3A_27 = arith.divf %sub3A_23, %div3A_26 : vector<1024x128xf32>
    %mul3A = vector.broadcast %get3A_8 : vector<1x128xf32> to vector<1024x128xf32>
    %mul3A_28 = arith.mulf %div3A_27, %mul3A : vector<1024x128xf32>
    %add3A_29 = vector.broadcast %get3A_11 : vector<1x128xf32> to vector<1024x128xf32>
    %add3A_30 = arith.addf %mul3A_28, %add3A_29 : vector<1024x128xf32>
    %max3A = arith.constant 0.000000e+00 : f32
    %max3A_31 = vector.broadcast %max3A : f32 to vector<1024x128xf32>
    %max3A_32 = arith.maximumf %add3A_30, %max3A_31 : vector<1024x128xf32>
    %get3A_33 = arith.constant 0 : index
    %get3A_34 = arith.constant 0 : index
    %get3A_35 = vector.load %arg6[%get3A_33, %get3A_34] : memref<128x128xf32, #tpu.memory_space<vmem>>, vector<128x128xf32>
    %dot_general3A_36 = arith.constant dense<0.000000e+00> : vector<1024x128xf32>
    %dot_general3A_37 = tpu.matmul %max3A_32, %get3A_35, %dot_general3A_36 {dimension_numbers = #tpu.dot_dimension_numbers<[1], [0], [0], [1], [0, 0, 1, 1], [], []>, transpose_lhs_hint = false} : vector<1024x128xf32>, vector<128x128xf32>, vector<1024x128xf32> -> vector<1024x128xf32>
    %get3A_38 = arith.constant 0 : index
    %get3A_39 = arith.constant 0 : index
    %get3A_40 = vector.load %arg2[%get3A_38, %get3A_39] : memref<1024x128xf32, #tpu.memory_space<vmem>>, vector<1024x128xf32>
    %get3A_41 = arith.constant 0 : index
    %get3A_42 = arith.constant 0 : index
    %get3A_43 = vector.load %arg7[%get3A_41, %get3A_42] : memref<128x128xf32, #tpu.memory_space<vmem>>, vector<128x128xf32>
    %dot_general3A_44 = arith.constant dense<0.000000e+00> : vector<1024x128xf32>
    %dot_general3A_45 = tpu.matmul %get3A_40, %get3A_43, %dot_general3A_44 {dimension_numbers = #tpu.dot_dimension_numbers<[1], [0], [0], [1], [0, 0, 1, 1], [], []>, transpose_lhs_hint = false} : vector<1024x128xf32>, vector<128x128xf32>, vector<1024x128xf32> -> vector<1024x128xf32>
    %bitcast_convert_type3A = tpu.bitcast %dot_general3A_37 : vector<1024x128xf32> -> vector<1024x128xi32>
    %bitcast_convert_type3A_46 = tpu.bitcast %dot_general3A_45 : vector<1024x128xf32> -> vector<1024x128xi32>
    %add3A_47 = arith.constant 32768 : i32
    %add3A_48 = vector.broadcast %add3A_47 : i32 to vector<1024x128xi32>
    %add3A_49 = arith.addi %bitcast_convert_type3A, %add3A_48 : vector<1024x128xi32>
    %shift_right_logical3A = arith.constant 16 : i32
    %shift_right_logical3A_50 = vector.broadcast %shift_right_logical3A : i32 to vector<1024x128xi32>
    %shift_right_logical3A_51 = arith.shrui %add3A_49, %shift_right_logical3A_50 : vector<1024x128xi32>
    %add3A_52 = arith.constant 32768 : i32
    %add3A_53 = vector.broadcast %add3A_52 : i32 to vector<1024x128xi32>
    %add3A_54 = arith.addi %bitcast_convert_type3A_46, %add3A_53 : vector<1024x128xi32>
    %and3A = arith.constant -65536 : i32
    %and3A_55 = vector.broadcast %and3A : i32 to vector<1024x128xi32>
    %and3A_56 = arith.andi %add3A_54, %and3A_55 : vector<1024x128xi32>
    %or3A = arith.ori %shift_right_logical3A_51, %and3A_56 : vector<1024x128xi32>
    %swap3A = arith.constant 0 : index
    %swap3A_57 = arith.constant 0 : index
    %swap3A_58 = vector.load %arg9[%swap3A, %swap3A_57] : memref<1024x128xi32, #tpu.memory_space<vmem>>, vector<1024x128xi32>
    tpu.vector_store %arg9[%swap3A, %swap3A_57], %or3A {strides = array<i32>} : memref<1024x128xi32, #tpu.memory_space<vmem>>, vector<1024x128xi32>,
    %get3A_59 = arith.constant 0 : index
    %get3A_60 = arith.constant 0 : index
    %get3A_61 = vector.load %arg8[%get3A_59, %get3A_60] : memref<128x128xf32, #tpu.memory_space<vmem>>, vector<128x128xf32>
    %dot_general3A_62 = arith.constant dense<0.000000e+00> : vector<1024x128xf32>
    %dot_general3A_63 = tpu.matmul %get3A_1, %get3A_61, %dot_general3A_62 {dimension_numbers = #tpu.dot_dimension_numbers<[1], [0], [0], [1], [0, 0, 1, 1], [], []>, transpose_lhs_hint = false} : vector<1024x128xf32>, vector<128x128xf32>, vector<1024x128xf32> -> vector<1024x128xf32>
    %swap3A_64 = arith.constant 0 : index
    %swap3A_65 = arith.constant 0 : index
    %swap3A_66 = vector.load %arg10[%swap3A_64, %swap3A_65] : memref<1024x128xf32, #tpu.memory_space<vmem>>, vector<1024x128xf32>
    tpu.vector_store %arg10[%swap3A_64, %swap3A_65], %dot_general3A_63 {strides = array<i32>} : memref<1024x128xf32, #tpu.memory_space<vmem>>, vector<1024x128xf32>,
    return
  }
  func.func @transform_0(%arg0: i32) -> (i32, i32) {
    %c0_i32 = arith.constant 0 : i32
    %c0_i32_0 = arith.constant 0 : i32
    return %arg0, %c0_i32 : i32, i32
  }
  func.func @transform_1(%arg0: i32) -> (i32, i32) {
    %c0_i32 = arith.constant 0 : i32
    %c0_i32_0 = arith.constant 0 : i32
    return %arg0, %c0_i32 : i32, i32
  }
  func.func @transform_2(%arg0: i32) -> (i32, i32) {
    %c0_i32 = arith.constant 0 : i32
    %c0_i32_0 = arith.constant 0 : i32
    %c0_i32_1 = arith.constant 0 : i32
    return %c0_i32, %c0_i32_0 : i32, i32
  }
  func.func @transform_3(%arg0: i32) -> (i32, i32) {
    %c0_i32 = arith.constant 0 : i32
    %c0_i32_0 = arith.constant 0 : i32
    %c0_i32_1 = arith.constant 0 : i32
    return %c0_i32, %c0_i32_0 : i32, i32
  }
  func.func @transform_4(%arg0: i32) -> (i32, i32) {
    %c0_i32 = arith.constant 0 : i32
    %c0_i32_0 = arith.constant 0 : i32
    %c0_i32_1 = arith.constant 0 : i32
    return %c0_i32, %c0_i32_0 : i32, i32
  }
  func.func @transform_5(%arg0: i32) -> (i32, i32) {
    %c0_i32 = arith.constant 0 : i32
    %c0_i32_0 = arith.constant 0 : i32
    %c0_i32_1 = arith.constant 0 : i32
    return %c0_i32, %c0_i32_0 : i32, i32
  }
  func.func @transform_6(%arg0: i32) -> (i32, i32) {
    %c0_i32 = arith.constant 0 : i32
    %c0_i32_0 = arith.constant 0 : i32
    %c0_i32_1 = arith.constant 0 : i32
    return %c0_i32, %c0_i32_0 : i32, i32
  }
  func.func @transform_7(%arg0: i32) -> (i32, i32) {
    %c0_i32 = arith.constant 0 : i32
    %c0_i32_0 = arith.constant 0 : i32
    %c0_i32_1 = arith.constant 0 : i32
    return %c0_i32, %c0_i32_0 : i32, i32
  }
  func.func @transform_8(%arg0: i32) -> (i32, i32) {
    %c0_i32 = arith.constant 0 : i32
    %c0_i32_0 = arith.constant 0 : i32
    return %arg0, %c0_i32 : i32, i32
  }
  func.func @transform_9(%arg0: i32) -> (i32, i32) {
    %c0_i32 = arith.constant 0 : i32
    %c0_i32_0 = arith.constant 0 : i32
    return %arg0, %c0_i32 : i32, i32
  }
}

module attributes {stable_mosaic.version = 14 : i64} {
  func.func @_edge_body(%arg0: i32, %arg1: memref<1024x2xf32, #tpu.memory_space<vmem>>, %arg2: memref<1024x128xi32, #tpu.memory_space<vmem>>, %arg3: memref<2x128xf32, #tpu.memory_space<vmem>>, %arg4: memref<1x128xf32, #tpu.memory_space<vmem>>, %arg5: memref<128x128xf32, #tpu.memory_space<vmem>>, %arg6: memref<1x128xf32, #tpu.memory_space<vmem>>, %arg7: memref<1x128xf32, #tpu.memory_space<vmem>>, %arg8: memref<128x128xf32, #tpu.memory_space<vmem>>, %arg9: memref<1x128xf32, #tpu.memory_space<vmem>>, %arg10: memref<1x128xf32, #tpu.memory_space<vmem>>, %arg11: memref<128x128xf32, #tpu.memory_space<vmem>>, %arg12: memref<1024x128xf32, #tpu.memory_space<vmem>>) attributes {dimension_semantics = [#tpu.dimension_semantics<arbitrary>], iteration_bounds = array<i64: 160>, scalar_prefetch = 0 : i64, scratch_operands = 0 : i64, tpu.core_type = #tpu.core_type<tc>, window_params = [{transform_indices = @transform_0, window_bounds = array<i64: 1024, 2>}, {transform_indices = @transform_1, window_bounds = array<i64: 1024, 128>}, {pipeline_mode = #tpu.pipeline_mode<synchronous>, transform_indices = @transform_2, window_bounds = array<i64: 2, 128>}, {pipeline_mode = #tpu.pipeline_mode<synchronous>, transform_indices = @transform_3, window_bounds = array<i64: 1, 128>}, {pipeline_mode = #tpu.pipeline_mode<synchronous>, transform_indices = @transform_4, window_bounds = array<i64: 128, 128>}, {pipeline_mode = #tpu.pipeline_mode<synchronous>, transform_indices = @transform_5, window_bounds = array<i64: 1, 128>}, {pipeline_mode = #tpu.pipeline_mode<synchronous>, transform_indices = @transform_6, window_bounds = array<i64: 1, 128>}, {pipeline_mode = #tpu.pipeline_mode<synchronous>, transform_indices = @transform_7, window_bounds = array<i64: 128, 128>}, {pipeline_mode = #tpu.pipeline_mode<synchronous>, transform_indices = @transform_8, window_bounds = array<i64: 1, 128>}, {pipeline_mode = #tpu.pipeline_mode<synchronous>, transform_indices = @transform_9, window_bounds = array<i64: 1, 128>}, {pipeline_mode = #tpu.pipeline_mode<synchronous>, transform_indices = @transform_10, window_bounds = array<i64: 128, 128>}, {transform_indices = @transform_11, window_bounds = array<i64: 1024, 128>}]} {
    %get3A = arith.constant 0 : index
    %get3A_0 = arith.constant 0 : index
    %get3A_1 = vector.load %arg1[%get3A, %get3A_0] : memref<1024x2xf32, #tpu.memory_space<vmem>>, vector<1024x2xf32>
    %get3A_2 = arith.constant 0 : index
    %get3A_3 = arith.constant 0 : index
    %get3A_4 = vector.load %arg3[%get3A_2, %get3A_3] : memref<2x128xf32, #tpu.memory_space<vmem>>, vector<2x128xf32>
    %dot_general3A = arith.constant dense<0.000000e+00> : vector<1024x128xf32>
    %dot_general3A_5 = tpu.matmul %get3A_1, %get3A_4, %dot_general3A {dimension_numbers = #tpu.dot_dimension_numbers<[1], [0], [0], [1], [0, 0, 1, 1], [], []>, transpose_lhs_hint = false} : vector<1024x2xf32>, vector<2x128xf32>, vector<1024x128xf32> -> vector<1024x128xf32>
    %get3A_6 = arith.constant 0 : index
    %get3A_7 = arith.constant 0 : index
    %get3A_8 = vector.load %arg4[%get3A_6, %get3A_7] : memref<1x128xf32, #tpu.memory_space<vmem>>, vector<1x128xf32>
    %add3A = vector.broadcast %get3A_8 : vector<1x128xf32> to vector<1024x128xf32>
    %add3A_9 = arith.addf %dot_general3A_5, %add3A : vector<1024x128xf32>
    %max3A = arith.constant 0.000000e+00 : f32
    %max3A_10 = vector.broadcast %max3A : f32 to vector<1024x128xf32>
    %max3A_11 = arith.maximumf %add3A_9, %max3A_10 : vector<1024x128xf32>
    %get3A_12 = arith.constant 0 : index
    %get3A_13 = arith.constant 0 : index
    %get3A_14 = vector.load %arg5[%get3A_12, %get3A_13] : memref<128x128xf32, #tpu.memory_space<vmem>>, vector<128x128xf32>
    %dot_general3A_15 = arith.constant dense<0.000000e+00> : vector<1024x128xf32>
    %dot_general3A_16 = tpu.matmul %max3A_11, %get3A_14, %dot_general3A_15 {dimension_numbers = #tpu.dot_dimension_numbers<[1], [0], [0], [1], [0, 0, 1, 1], [], []>, transpose_lhs_hint = false} : vector<1024x128xf32>, vector<128x128xf32>, vector<1024x128xf32> -> vector<1024x128xf32>
    %get3A_17 = arith.constant 0 : index
    %get3A_18 = arith.constant 0 : index
    %get3A_19 = vector.load %arg6[%get3A_17, %get3A_18] : memref<1x128xf32, #tpu.memory_space<vmem>>, vector<1x128xf32>
    %get3A_20 = arith.constant 0 : index
    %get3A_21 = arith.constant 0 : index
    %get3A_22 = vector.load %arg7[%get3A_20, %get3A_21] : memref<1x128xf32, #tpu.memory_space<vmem>>, vector<1x128xf32>
    %reduce_sum3A = arith.constant dense<0.000000e+00> : vector<1024xf32>
    %reduce_sum3A_23 = vector.multi_reduction <add>, %dot_general3A_16, %reduce_sum3A [1] : vector<1024x128xf32> to vector<1024xf32>
    %broadcast_in_dim3A = vector.shape_cast %reduce_sum3A_23 : vector<1024xf32> to vector<1024x1xf32>
    %div3A = arith.constant 1.280000e+02 : f32
    %div3A_24 = vector.broadcast %div3A : f32 to vector<1024x1xf32>
    %div3A_25 = arith.divf %broadcast_in_dim3A, %div3A_24 : vector<1024x1xf32>
    %sub3A = vector.broadcast %div3A_25 : vector<1024x1xf32> to vector<1024x128xf32>
    %sub3A_26 = arith.subf %dot_general3A_16, %sub3A : vector<1024x128xf32>
    %integer_pow3A = arith.mulf %sub3A_26, %sub3A_26 : vector<1024x128xf32>
    %reduce_sum3A_27 = arith.constant dense<0.000000e+00> : vector<1024xf32>
    %reduce_sum3A_28 = vector.multi_reduction <add>, %integer_pow3A, %reduce_sum3A_27 [1] : vector<1024x128xf32> to vector<1024xf32>
    %broadcast_in_dim3A_29 = vector.shape_cast %reduce_sum3A_28 : vector<1024xf32> to vector<1024x1xf32>
    %div3A_30 = arith.constant 1.280000e+02 : f32
    %div3A_31 = vector.broadcast %div3A_30 : f32 to vector<1024x1xf32>
    %div3A_32 = arith.divf %broadcast_in_dim3A_29, %div3A_31 : vector<1024x1xf32>
    %sub3A_33 = vector.broadcast %div3A_25 : vector<1024x1xf32> to vector<1024x128xf32>
    %sub3A_34 = arith.subf %dot_general3A_16, %sub3A_33 : vector<1024x128xf32>
    %add3A_35 = arith.constant 9.99999974E-6 : f32
    %add3A_36 = vector.broadcast %add3A_35 : f32 to vector<1024x1xf32>
    %add3A_37 = arith.addf %div3A_32, %add3A_36 : vector<1024x1xf32>
    %sqrt3A = math.sqrt %add3A_37 : vector<1024x1xf32>
    %div3A_38 = vector.broadcast %sqrt3A : vector<1024x1xf32> to vector<1024x128xf32>
    %div3A_39 = arith.divf %sub3A_34, %div3A_38 : vector<1024x128xf32>
    %mul3A = vector.broadcast %get3A_19 : vector<1x128xf32> to vector<1024x128xf32>
    %mul3A_40 = arith.mulf %div3A_39, %mul3A : vector<1024x128xf32>
    %add3A_41 = vector.broadcast %get3A_22 : vector<1x128xf32> to vector<1024x128xf32>
    %add3A_42 = arith.addf %mul3A_40, %add3A_41 : vector<1024x128xf32>
    %max3A_43 = arith.constant 0.000000e+00 : f32
    %max3A_44 = vector.broadcast %max3A_43 : f32 to vector<1024x128xf32>
    %max3A_45 = arith.maximumf %add3A_42, %max3A_44 : vector<1024x128xf32>
    %get3A_46 = arith.constant 0 : index
    %get3A_47 = arith.constant 0 : index
    %get3A_48 = vector.load %arg2[%get3A_46, %get3A_47] : memref<1024x128xi32, #tpu.memory_space<vmem>>, vector<1024x128xi32>
    %shift_left3A = arith.constant 16 : i32
    %shift_left3A_49 = vector.broadcast %shift_left3A : i32 to vector<1024x128xi32>
    %shift_left3A_50 = arith.shli %get3A_48, %shift_left3A_49 : vector<1024x128xi32>
    %bitcast_convert_type3A = tpu.bitcast %shift_left3A_50 : vector<1024x128xi32> -> vector<1024x128xf32>
    %and3A = arith.constant -65536 : i32
    %and3A_51 = vector.broadcast %and3A : i32 to vector<1024x128xi32>
    %and3A_52 = arith.andi %get3A_48, %and3A_51 : vector<1024x128xi32>
    %bitcast_convert_type3A_53 = tpu.bitcast %and3A_52 : vector<1024x128xi32> -> vector<1024x128xf32>
    %get3A_54 = arith.constant 0 : index
    %get3A_55 = arith.constant 0 : index
    %get3A_56 = vector.load %arg8[%get3A_54, %get3A_55] : memref<128x128xf32, #tpu.memory_space<vmem>>, vector<128x128xf32>
    %dot_general3A_57 = arith.constant dense<0.000000e+00> : vector<1024x128xf32>
    %dot_general3A_58 = tpu.matmul %max3A_45, %get3A_56, %dot_general3A_57 {dimension_numbers = #tpu.dot_dimension_numbers<[1], [0], [0], [1], [0, 0, 1, 1], [], []>, transpose_lhs_hint = false} : vector<1024x128xf32>, vector<128x128xf32>, vector<1024x128xf32> -> vector<1024x128xf32>
    %add3A_59 = arith.addf %dot_general3A_58, %bitcast_convert_type3A : vector<1024x128xf32>
    %add3A_60 = arith.addf %add3A_59, %bitcast_convert_type3A_53 : vector<1024x128xf32>
    %get3A_61 = arith.constant 0 : index
    %get3A_62 = arith.constant 0 : index
    %get3A_63 = vector.load %arg9[%get3A_61, %get3A_62] : memref<1x128xf32, #tpu.memory_space<vmem>>, vector<1x128xf32>
    %get3A_64 = arith.constant 0 : index
    %get3A_65 = arith.constant 0 : index
    %get3A_66 = vector.load %arg10[%get3A_64, %get3A_65] : memref<1x128xf32, #tpu.memory_space<vmem>>, vector<1x128xf32>
    %reduce_sum3A_67 = arith.constant dense<0.000000e+00> : vector<1024xf32>
    %reduce_sum3A_68 = vector.multi_reduction <add>, %add3A_60, %reduce_sum3A_67 [1] : vector<1024x128xf32> to vector<1024xf32>
    %broadcast_in_dim3A_69 = vector.shape_cast %reduce_sum3A_68 : vector<1024xf32> to vector<1024x1xf32>
    %div3A_70 = arith.constant 1.280000e+02 : f32
    %div3A_71 = vector.broadcast %div3A_70 : f32 to vector<1024x1xf32>
    %div3A_72 = arith.divf %broadcast_in_dim3A_69, %div3A_71 : vector<1024x1xf32>
    %sub3A_73 = vector.broadcast %div3A_72 : vector<1024x1xf32> to vector<1024x128xf32>
    %sub3A_74 = arith.subf %add3A_60, %sub3A_73 : vector<1024x128xf32>
    %integer_pow3A_75 = arith.mulf %sub3A_74, %sub3A_74 : vector<1024x128xf32>
    %reduce_sum3A_76 = arith.constant dense<0.000000e+00> : vector<1024xf32>
    %reduce_sum3A_77 = vector.multi_reduction <add>, %integer_pow3A_75, %reduce_sum3A_76 [1] : vector<1024x128xf32> to vector<1024xf32>
    %broadcast_in_dim3A_78 = vector.shape_cast %reduce_sum3A_77 : vector<1024xf32> to vector<1024x1xf32>
    %div3A_79 = arith.constant 1.280000e+02 : f32
    %div3A_80 = vector.broadcast %div3A_79 : f32 to vector<1024x1xf32>
    %div3A_81 = arith.divf %broadcast_in_dim3A_78, %div3A_80 : vector<1024x1xf32>
    %sub3A_82 = vector.broadcast %div3A_72 : vector<1024x1xf32> to vector<1024x128xf32>
    %sub3A_83 = arith.subf %add3A_60, %sub3A_82 : vector<1024x128xf32>
    %add3A_84 = arith.constant 9.99999974E-6 : f32
    %add3A_85 = vector.broadcast %add3A_84 : f32 to vector<1024x1xf32>
    %add3A_86 = arith.addf %div3A_81, %add3A_85 : vector<1024x1xf32>
    %sqrt3A_87 = math.sqrt %add3A_86 : vector<1024x1xf32>
    %div3A_88 = vector.broadcast %sqrt3A_87 : vector<1024x1xf32> to vector<1024x128xf32>
    %div3A_89 = arith.divf %sub3A_83, %div3A_88 : vector<1024x128xf32>
    %mul3A_90 = vector.broadcast %get3A_63 : vector<1x128xf32> to vector<1024x128xf32>
    %mul3A_91 = arith.mulf %div3A_89, %mul3A_90 : vector<1024x128xf32>
    %add3A_92 = vector.broadcast %get3A_66 : vector<1x128xf32> to vector<1024x128xf32>
    %add3A_93 = arith.addf %mul3A_91, %add3A_92 : vector<1024x128xf32>
    %max3A_94 = arith.constant 0.000000e+00 : f32
    %max3A_95 = vector.broadcast %max3A_94 : f32 to vector<1024x128xf32>
    %max3A_96 = arith.maximumf %add3A_93, %max3A_95 : vector<1024x128xf32>
    %get3A_97 = arith.constant 0 : index
    %get3A_98 = arith.constant 0 : index
    %get3A_99 = vector.load %arg11[%get3A_97, %get3A_98] : memref<128x128xf32, #tpu.memory_space<vmem>>, vector<128x128xf32>
    %dot_general3A_100 = arith.constant dense<0.000000e+00> : vector<1024x128xf32>
    %dot_general3A_101 = tpu.matmul %max3A_96, %get3A_99, %dot_general3A_100 {dimension_numbers = #tpu.dot_dimension_numbers<[1], [0], [0], [1], [0, 0, 1, 1], [], []>, transpose_lhs_hint = false} : vector<1024x128xf32>, vector<128x128xf32>, vector<1024x128xf32> -> vector<1024x128xf32>
    %swap3A = arith.constant 0 : index
    %swap3A_102 = arith.constant 0 : index
    %swap3A_103 = vector.load %arg12[%swap3A, %swap3A_102] : memref<1024x128xf32, #tpu.memory_space<vmem>>, vector<1024x128xf32>
    tpu.vector_store %arg12[%swap3A, %swap3A_102], %dot_general3A_101 {strides = array<i32>} : memref<1024x128xf32, #tpu.memory_space<vmem>>, vector<1024x128xf32>,
    return
  }
  func.func @transform_0(%arg0: i32) -> (i32, i32) {
    %c0_i32 = arith.constant 0 : i32
    %c0_i32_0 = arith.constant 0 : i32
    return %arg0, %c0_i32 : i32, i32
  }
  func.func @transform_1(%arg0: i32) -> (i32, i32) {
    %c0_i32 = arith.constant 0 : i32
    %c0_i32_0 = arith.constant 0 : i32
    return %arg0, %c0_i32 : i32, i32
  }
  func.func @transform_2(%arg0: i32) -> (i32, i32) {
    %c0_i32 = arith.constant 0 : i32
    %c0_i32_0 = arith.constant 0 : i32
    %c0_i32_1 = arith.constant 0 : i32
    return %c0_i32, %c0_i32_0 : i32, i32
  }
  func.func @transform_3(%arg0: i32) -> (i32, i32) {
    %c0_i32 = arith.constant 0 : i32
    %c0_i32_0 = arith.constant 0 : i32
    %c0_i32_1 = arith.constant 0 : i32
    return %c0_i32, %c0_i32_0 : i32, i32
  }
  func.func @transform_4(%arg0: i32) -> (i32, i32) {
    %c0_i32 = arith.constant 0 : i32
    %c0_i32_0 = arith.constant 0 : i32
    %c0_i32_1 = arith.constant 0 : i32
    return %c0_i32, %c0_i32_0 : i32, i32
  }
  func.func @transform_5(%arg0: i32) -> (i32, i32) {
    %c0_i32 = arith.constant 0 : i32
    %c0_i32_0 = arith.constant 0 : i32
    %c0_i32_1 = arith.constant 0 : i32
    return %c0_i32, %c0_i32_0 : i32, i32
  }
  func.func @transform_6(%arg0: i32) -> (i32, i32) {
    %c0_i32 = arith.constant 0 : i32
    %c0_i32_0 = arith.constant 0 : i32
    %c0_i32_1 = arith.constant 0 : i32
    return %c0_i32, %c0_i32_0 : i32, i32
  }
  func.func @transform_7(%arg0: i32) -> (i32, i32) {
    %c0_i32 = arith.constant 0 : i32
    %c0_i32_0 = arith.constant 0 : i32
    %c0_i32_1 = arith.constant 0 : i32
    return %c0_i32, %c0_i32_0 : i32, i32
  }
  func.func @transform_8(%arg0: i32) -> (i32, i32) {
    %c0_i32 = arith.constant 0 : i32
    %c0_i32_0 = arith.constant 0 : i32
    %c0_i32_1 = arith.constant 0 : i32
    return %c0_i32, %c0_i32_0 : i32, i32
  }
  func.func @transform_9(%arg0: i32) -> (i32, i32) {
    %c0_i32 = arith.constant 0 : i32
    %c0_i32_0 = arith.constant 0 : i32
    %c0_i32_1 = arith.constant 0 : i32
    return %c0_i32, %c0_i32_0 : i32, i32
  }
  func.func @transform_10(%arg0: i32) -> (i32, i32) {
    %c0_i32 = arith.constant 0 : i32
    %c0_i32_0 = arith.constant 0 : i32
    %c0_i32_1 = arith.constant 0 : i32
    return %c0_i32, %c0_i32_0 : i32, i32
  }
  func.func @transform_11(%arg0: i32) -> (i32, i32) {
    %c0_i32 = arith.constant 0 : i32
    %c0_i32_0 = arith.constant 0 : i32
    return %arg0, %c0_i32 : i32, i32
  }
}

module attributes {stable_mosaic.version = 14 : i64} {
  func.func @_node_post_body(%arg0: i32, %arg1: memref<2x1024x128xf32, #tpu.memory_space<vmem>>, %arg2: memref<1024x128xf32, #tpu.memory_space<vmem>>, %arg3: memref<1x128xf32, #tpu.memory_space<vmem>>, %arg4: memref<1x128xf32, #tpu.memory_space<vmem>>, %arg5: memref<128x128xf32, #tpu.memory_space<vmem>>, %arg6: memref<1x128xf32, #tpu.memory_space<vmem>>, %arg7: memref<1x128xf32, #tpu.memory_space<vmem>>, %arg8: memref<1024x128xf32, #tpu.memory_space<vmem>>) attributes {dimension_semantics = [#tpu.dimension_semantics<arbitrary>], iteration_bounds = array<i64: 10>, scalar_prefetch = 0 : i64, scratch_operands = 0 : i64, tpu.core_type = #tpu.core_type<tc>, window_params = [{transform_indices = @transform_0, window_bounds = array<i64: 2, 1024, 128>}, {transform_indices = @transform_1, window_bounds = array<i64: 1024, 128>}, {pipeline_mode = #tpu.pipeline_mode<synchronous>, transform_indices = @transform_2, window_bounds = array<i64: 1, 128>}, {pipeline_mode = #tpu.pipeline_mode<synchronous>, transform_indices = @transform_3, window_bounds = array<i64: 1, 128>}, {pipeline_mode = #tpu.pipeline_mode<synchronous>, transform_indices = @transform_4, window_bounds = array<i64: 128, 128>}, {pipeline_mode = #tpu.pipeline_mode<synchronous>, transform_indices = @transform_5, window_bounds = array<i64: 1, 128>}, {pipeline_mode = #tpu.pipeline_mode<synchronous>, transform_indices = @transform_6, window_bounds = array<i64: 1, 128>}, {transform_indices = @transform_7, window_bounds = array<i64: 1024, 128>}]} {
    %get3A = arith.constant 0 : index
    %get3A_0 = arith.constant 0 : index
    %get3A_1 = arith.constant 0 : index
    %get3A_2 = vector.load %arg1[%get3A, %get3A_0, %get3A_1] : memref<2x1024x128xf32, #tpu.memory_space<vmem>>, vector<1x1024x128xf32>
    %get3A_3 = vector.shape_cast %get3A_2 : vector<1x1024x128xf32> to vector<1024x128xf32>
    %get3A_4 = arith.constant 1 : index
    %get3A_5 = arith.constant 0 : index
    %get3A_6 = arith.constant 0 : index
    %get3A_7 = vector.load %arg1[%get3A_4, %get3A_5, %get3A_6] : memref<2x1024x128xf32, #tpu.memory_space<vmem>>, vector<1x1024x128xf32>
    %get3A_8 = vector.shape_cast %get3A_7 : vector<1x1024x128xf32> to vector<1024x128xf32>
    %add3A = arith.addf %get3A_3, %get3A_8 : vector<1024x128xf32>
    %get3A_9 = arith.constant 0 : index
    %get3A_10 = arith.constant 0 : index
    %get3A_11 = vector.load %arg3[%get3A_9, %get3A_10] : memref<1x128xf32, #tpu.memory_space<vmem>>, vector<1x128xf32>
    %get3A_12 = arith.constant 0 : index
    %get3A_13 = arith.constant 0 : index
    %get3A_14 = vector.load %arg4[%get3A_12, %get3A_13] : memref<1x128xf32, #tpu.memory_space<vmem>>, vector<1x128xf32>
    %reduce_sum3A = arith.constant dense<0.000000e+00> : vector<1024xf32>
    %reduce_sum3A_15 = vector.multi_reduction <add>, %add3A, %reduce_sum3A [1] : vector<1024x128xf32> to vector<1024xf32>
    %broadcast_in_dim3A = vector.shape_cast %reduce_sum3A_15 : vector<1024xf32> to vector<1024x1xf32>
    %div3A = arith.constant 1.280000e+02 : f32
    %div3A_16 = vector.broadcast %div3A : f32 to vector<1024x1xf32>
    %div3A_17 = arith.divf %broadcast_in_dim3A, %div3A_16 : vector<1024x1xf32>
    %sub3A = vector.broadcast %div3A_17 : vector<1024x1xf32> to vector<1024x128xf32>
    %sub3A_18 = arith.subf %add3A, %sub3A : vector<1024x128xf32>
    %integer_pow3A = arith.mulf %sub3A_18, %sub3A_18 : vector<1024x128xf32>
    %reduce_sum3A_19 = arith.constant dense<0.000000e+00> : vector<1024xf32>
    %reduce_sum3A_20 = vector.multi_reduction <add>, %integer_pow3A, %reduce_sum3A_19 [1] : vector<1024x128xf32> to vector<1024xf32>
    %broadcast_in_dim3A_21 = vector.shape_cast %reduce_sum3A_20 : vector<1024xf32> to vector<1024x1xf32>
    %div3A_22 = arith.constant 1.280000e+02 : f32
    %div3A_23 = vector.broadcast %div3A_22 : f32 to vector<1024x1xf32>
    %div3A_24 = arith.divf %broadcast_in_dim3A_21, %div3A_23 : vector<1024x1xf32>
    %sub3A_25 = vector.broadcast %div3A_17 : vector<1024x1xf32> to vector<1024x128xf32>
    %sub3A_26 = arith.subf %add3A, %sub3A_25 : vector<1024x128xf32>
    %add3A_27 = arith.constant 9.99999974E-6 : f32
    %add3A_28 = vector.broadcast %add3A_27 : f32 to vector<1024x1xf32>
    %add3A_29 = arith.addf %div3A_24, %add3A_28 : vector<1024x1xf32>
    %sqrt3A = math.sqrt %add3A_29 : vector<1024x1xf32>
    %div3A_30 = vector.broadcast %sqrt3A : vector<1024x1xf32> to vector<1024x128xf32>
    %div3A_31 = arith.divf %sub3A_26, %div3A_30 : vector<1024x128xf32>
    %mul3A = vector.broadcast %get3A_11 : vector<1x128xf32> to vector<1024x128xf32>
    %mul3A_32 = arith.mulf %div3A_31, %mul3A : vector<1024x128xf32>
    %add3A_33 = vector.broadcast %get3A_14 : vector<1x128xf32> to vector<1024x128xf32>
    %add3A_34 = arith.addf %mul3A_32, %add3A_33 : vector<1024x128xf32>
    %max3A = arith.constant 0.000000e+00 : f32
    %max3A_35 = vector.broadcast %max3A : f32 to vector<1024x128xf32>
    %max3A_36 = arith.maximumf %add3A_34, %max3A_35 : vector<1024x128xf32>
    %get3A_37 = arith.constant 0 : index
    %get3A_38 = arith.constant 0 : index
    %get3A_39 = vector.load %arg5[%get3A_37, %get3A_38] : memref<128x128xf32, #tpu.memory_space<vmem>>, vector<128x128xf32>
    %dot_general3A = arith.constant dense<0.000000e+00> : vector<1024x128xf32>
    %dot_general3A_40 = tpu.matmul %max3A_36, %get3A_39, %dot_general3A {dimension_numbers = #tpu.dot_dimension_numbers<[1], [0], [0], [1], [0, 0, 1, 1], [], []>, transpose_lhs_hint = false} : vector<1024x128xf32>, vector<128x128xf32>, vector<1024x128xf32> -> vector<1024x128xf32>
    %get3A_41 = arith.constant 0 : index
    %get3A_42 = arith.constant 0 : index
    %get3A_43 = vector.load %arg6[%get3A_41, %get3A_42] : memref<1x128xf32, #tpu.memory_space<vmem>>, vector<1x128xf32>
    %get3A_44 = arith.constant 0 : index
    %get3A_45 = arith.constant 0 : index
    %get3A_46 = vector.load %arg7[%get3A_44, %get3A_45] : memref<1x128xf32, #tpu.memory_space<vmem>>, vector<1x128xf32>
    %reduce_sum3A_47 = arith.constant dense<0.000000e+00> : vector<1024xf32>
    %reduce_sum3A_48 = vector.multi_reduction <add>, %dot_general3A_40, %reduce_sum3A_47 [1] : vector<1024x128xf32> to vector<1024xf32>
    %broadcast_in_dim3A_49 = vector.shape_cast %reduce_sum3A_48 : vector<1024xf32> to vector<1024x1xf32>
    %div3A_50 = arith.constant 1.280000e+02 : f32
    %div3A_51 = vector.broadcast %div3A_50 : f32 to vector<1024x1xf32>
    %div3A_52 = arith.divf %broadcast_in_dim3A_49, %div3A_51 : vector<1024x1xf32>
    %sub3A_53 = vector.broadcast %div3A_52 : vector<1024x1xf32> to vector<1024x128xf32>
    %sub3A_54 = arith.subf %dot_general3A_40, %sub3A_53 : vector<1024x128xf32>
    %integer_pow3A_55 = arith.mulf %sub3A_54, %sub3A_54 : vector<1024x128xf32>
    %reduce_sum3A_56 = arith.constant dense<0.000000e+00> : vector<1024xf32>
    %reduce_sum3A_57 = vector.multi_reduction <add>, %integer_pow3A_55, %reduce_sum3A_56 [1] : vector<1024x128xf32> to vector<1024xf32>
    %broadcast_in_dim3A_58 = vector.shape_cast %reduce_sum3A_57 : vector<1024xf32> to vector<1024x1xf32>
    %div3A_59 = arith.constant 1.280000e+02 : f32
    %div3A_60 = vector.broadcast %div3A_59 : f32 to vector<1024x1xf32>
    %div3A_61 = arith.divf %broadcast_in_dim3A_58, %div3A_60 : vector<1024x1xf32>
    %sub3A_62 = vector.broadcast %div3A_52 : vector<1024x1xf32> to vector<1024x128xf32>
    %sub3A_63 = arith.subf %dot_general3A_40, %sub3A_62 : vector<1024x128xf32>
    %add3A_64 = arith.constant 9.99999974E-6 : f32
    %add3A_65 = vector.broadcast %add3A_64 : f32 to vector<1024x1xf32>
    %add3A_66 = arith.addf %div3A_61, %add3A_65 : vector<1024x1xf32>
    %sqrt3A_67 = math.sqrt %add3A_66 : vector<1024x1xf32>
    %div3A_68 = vector.broadcast %sqrt3A_67 : vector<1024x1xf32> to vector<1024x128xf32>
    %div3A_69 = arith.divf %sub3A_63, %div3A_68 : vector<1024x128xf32>
    %mul3A_70 = vector.broadcast %get3A_43 : vector<1x128xf32> to vector<1024x128xf32>
    %mul3A_71 = arith.mulf %div3A_69, %mul3A_70 : vector<1024x128xf32>
    %add3A_72 = vector.broadcast %get3A_46 : vector<1x128xf32> to vector<1024x128xf32>
    %add3A_73 = arith.addf %mul3A_71, %add3A_72 : vector<1024x128xf32>
    %get3A_74 = arith.constant 0 : index
    %get3A_75 = arith.constant 0 : index
    %get3A_76 = vector.load %arg2[%get3A_74, %get3A_75] : memref<1024x128xf32, #tpu.memory_space<vmem>>, vector<1024x128xf32>
    %add3A_77 = arith.addf %add3A_73, %get3A_76 : vector<1024x128xf32>
    %max3A_78 = arith.constant 0.000000e+00 : f32
    %max3A_79 = vector.broadcast %max3A_78 : f32 to vector<1024x128xf32>
    %max3A_80 = arith.maximumf %add3A_77, %max3A_79 : vector<1024x128xf32>
    %swap3A = arith.constant 0 : index
    %swap3A_81 = arith.constant 0 : index
    %swap3A_82 = vector.load %arg8[%swap3A, %swap3A_81] : memref<1024x128xf32, #tpu.memory_space<vmem>>, vector<1024x128xf32>
    tpu.vector_store %arg8[%swap3A, %swap3A_81], %max3A_80 {strides = array<i32>} : memref<1024x128xf32, #tpu.memory_space<vmem>>, vector<1024x128xf32>,
    return
  }
  func.func @transform_0(%arg0: i32) -> (i32, i32, i32) {
    %c0_i32 = arith.constant 0 : i32
    %c0_i32_0 = arith.constant 0 : i32
    %c0_i32_1 = arith.constant 0 : i32
    return %c0_i32, %arg0, %c0_i32_0 : i32, i32, i32
  }
  func.func @transform_1(%arg0: i32) -> (i32, i32) {
    %c0_i32 = arith.constant 0 : i32
    %c0_i32_0 = arith.constant 0 : i32
    return %arg0, %c0_i32 : i32, i32
  }
  func.func @transform_2(%arg0: i32) -> (i32, i32) {
    %c0_i32 = arith.constant 0 : i32
    %c0_i32_0 = arith.constant 0 : i32
    %c0_i32_1 = arith.constant 0 : i32
    return %c0_i32, %c0_i32_0 : i32, i32
  }
  func.func @transform_3(%arg0: i32) -> (i32, i32) {
    %c0_i32 = arith.constant 0 : i32
    %c0_i32_0 = arith.constant 0 : i32
    %c0_i32_1 = arith.constant 0 : i32
    return %c0_i32, %c0_i32_0 : i32, i32
  }
  func.func @transform_4(%arg0: i32) -> (i32, i32) {
    %c0_i32 = arith.constant 0 : i32
    %c0_i32_0 = arith.constant 0 : i32
    %c0_i32_1 = arith.constant 0 : i32
    return %c0_i32, %c0_i32_0 : i32, i32
  }
  func.func @transform_5(%arg0: i32) -> (i32, i32) {
    %c0_i32 = arith.constant 0 : i32
    %c0_i32_0 = arith.constant 0 : i32
    %c0_i32_1 = arith.constant 0 : i32
    return %c0_i32, %c0_i32_0 : i32, i32
  }
  func.func @transform_6(%arg0: i32) -> (i32, i32) {
    %c0_i32 = arith.constant 0 : i32
    %c0_i32_0 = arith.constant 0 : i32
    %c0_i32_1 = arith.constant 0 : i32
    return %c0_i32, %c0_i32_0 : i32, i32
  }
  func.func @transform_7(%arg0: i32) -> (i32, i32) {
    %c0_i32 = arith.constant 0 : i32
    %c0_i32_0 = arith.constant 0 : i32
    return %arg0, %c0_i32 : i32, i32
  }
}

</mosaic_0001>

<sc_bundles>
// kernel: kernel.10.cloned.1.call-start
scs
__scs_entry_jumppad:
0x0: {  	(pc) =	sbr.rel $0x88, $3  }
0x1: {  	(tag) =	ssettag $0x0;
	lr =	simm.s32 $0x1  }
0x2: {  	[smem:$0x3F8A] =	sst lr;
	_ =	strace $0xD0000000  }
0x3: {  	_ = 	snop  }
0x4: {  	_ = 	snop  }
0x5: {  	_ = 	snop  }
0x6: {  	_ = 	snop  }
0x7: {  	_ = 	snop  }
__scs_overlays_trampoline_lowered:
0x8: {  	[smem:$0x3F99] =	sst s0  }
0x9: {  	[smem:$0x3F9A] =	sst s1  }
0xa: {  	[smem:$0x3F9B] =	sst s2  }
0xb: {  	[smem:$0x3F9C] =	sst s3  }
0xc: {  	[smem:$0x3F9D] =	sst s4  }
0xd: {  	[smem:$0x3F9E] =	sst s5  }
0xe: {  	[smem:$0x3F9F] =	sst s6  }
0xf: {  	[smem:$0x3FA0] =	sst s7  }
0x10: {  	[smem:$0x3FA1] =	sst s8  }
0x11: {  	[smem:$0x3FA2] =	sst s9;
	s0 =	simm.s32 @!p0 $0x0  }
0x12: {  	s1 =	sld [smem:$0x3F88];
	s0 =	simm.s32 @p0 $0x1  }
0x13: {  	[smem:$0x3FA3] =	sst s0;
	s0 =	simm.s32 @!p1 $0x0  }
0x14: {  	s2 =	sld [smem:$0x3F87];
	s0 =	simm.s32 @p1 $0x1  }
0x15: {  	[smem:$0x3FA4] =	sst s0;
	s0 =	simm.s32 @!p2 $0x0  }
0x16: {  	s3 =	sld [smem:$0x3FDB];
	s0 =	simm.s32 @p2 $0x1  }
0x17: {  	s4 =	simm.s32 $0x1BF5;
	[smem:$0x3FA6] =	sst s0  }
0x18: {  	s0 =	sld [smem:$0x3F89];
	_ =	swait.ge [sflag:s4], $0x0  }
0x19: {  	s7 =	sld [smem:$0x3F8A]  }
0x1a: {  	s8 =	sadd.s32 $0xFFFFE003, lr  }
0x1b: {  	s9 =	sadd.s32 $0xFFFFFEF7, lr;
	s5 =	simm.s32 $0xFFFFFFFF;
	p2 =	slt.u32 s8, $0xFFFFF086  }
0x1c: {  	p1 =	slt.u32 s9, $0xF7A;
	s5 =	simm.s32 @!p2 $0x0  }
0x1d: {  	s5 =	simm.s32 @p1 $0x1;
	p0 =	seq.s32 s7, s2  }
0x1e: {  	s7 =	smul.u32 @!p0 $0xF7A, s2;
	p2 =	seq.s32 @!p0 s5, $0x0  }
0x1f: {  	s9 =	smul.u32 $0xF7A, s1;
	s8 =	simm.s32 @!p0 $0x1BF5;
	p2 =	por !p2, p0  }
0x20: {  	[sflag:s8] =	ssyncset.s32 @!p0 $0xFFFFF086;
	s6 =	sadd.s32 @!p0 s3, s7;
	s7 =	simm.s32 @!p0 $0x108  }
0x21: {  	s3 =	sadd.s32 s3, s9;
	s6 =	sadd.s32 @!p0 $0x88, s6;
	s7 =	simm.s32 @p2 $0x1082  }
0x22: {  	[simem:s7], [sflag:s8] =	dma.local @!p0 [hbm:s6], $0xF7A  }
0x23: {  	s9 =	sor.u32 $0xD0000000, s2;
	s6 =	simm.s32 $0x108;
	_ =	swait.ge @!p0 [sflag:s8], $0x0  }
0x24: {  	s3 =	sadd.s32 $0x88, s3;
	s6 =	simm.s32 @!p1 $0x1082;
	[sflag:s4] =	ssyncset.s32 $0xFFFFF086  }
0x25: {  	[simem:s6], [sflag:s4] =	dma.local [hbm:s3], $0xF7A  }
0x26: {  	[smem:$0x3F8A] =	sst s1;
	(tag) =	ssettag s2;
	_ =	strace s9  }
0x27: {  	s1 =	sld [smem:$0x3F9A]  }
0x28: {  	s2 =	sld [smem:$0x3F9B]  }
0x29: {  	s4 =	sld [smem:$0x3F9D]  }
0x2a: {  	p0 =	seq.s32 s5, $0x0;
	s5 =	sld [smem:$0x3F9E]  }
0x2b: {  	s6 =	sld [smem:$0x3F9F]  }
0x2c: {  	s7 =	sld [smem:$0x3FA0]  }
0x2d: {  	s3 =	simm.s32 $0x108;
	s8 =	sld [smem:$0x3FA1]  }
0x2e: {  	s3 =	simm.s32 @!p0 $0x1082;
	s9 =	sld [smem:$0x3FA2]  }
0x2f: {  	lr =	sadd.s32 s0, s3;
	s0 =	sld [smem:$0x3F99]  }
0x30: {  	s3 =	sld [smem:$0x3F9C]  }
0x31: {  	[smem:$0x3FA5] =	sst s10  }
0x32: {  	s10 =	sld [smem:$0x3FA3];
	_ =	sdelay $0x3  }
0x33: {  	p0 =	seq.s32 s10, $0x1;
	s10 =	sld [smem:$0x3FA5];
	_ =	sdelay $0x3  }
0x34: {  	[smem:$0x3FA5] =	sst s10  }
0x35: {  	s10 =	sld [smem:$0x3FA4];
	_ =	sdelay $0x3  }
0x36: {  	p1 =	seq.s32 s10, $0x1;
	s10 =	sld [smem:$0x3FA5];
	_ =	sdelay $0x3  }
0x37: {  	[smem:$0x3FA5] =	sst s10  }
0x38: {  	s10 =	sld [smem:$0x3FA6]  }
0x39: {  	_ = 	snop;
	(pc) =	sbr.ind lr, $3  }
0x3a: {  	_ = 	snop  }
0x3b: {  	_ = 	snop  }
0x3c: {  	p2 =	seq.s32 s10, $0x1;
	s10 =	sld [smem:$0x3FA5]  }
0x3d: {  	_ =	shalt  }
0x3e: {  	_ =	shalt  }
0x3f: {  	_ =	shalt  }
0x40: {  	_ =	shalt  }
0x41: {  	_ =	shalt  }
0x42: {  	_ =	shalt  }
0x43: {  	_ =	shalt  }
0x44: {  	_ =	shalt  }
0x45: {  	_ =	shalt  }
0x46: {  	_ =	shalt  }
0x47: {  	_ =	shalt  }
0x48: {  	_ =	shalt  }
0x49: {  	_ =	shalt  }
0x4a: {  	_ =	shalt  }
0x4b: {  	_ =	shalt  }
0x4c: {  	_ =	shalt  }
0x4d: {  	_ =	shalt  }
0x4e: {  	_ =	shalt  }
0x4f: {  	_ =	shalt  }
0x50: {  	_ =	shalt  }
0x51: {  	_ =	shalt  }
0x52: {  	_ =	shalt  }
0x53: {  	_ =	shalt  }
0x54: {  	_ =	shalt  }
0x55: {  	_ =	shalt  }
0x56: {  	_ =	shalt  }
0x57: {  	_ =	shalt  }
0x58: {  	_ =	shalt  }
0x59: {  	_ =	shalt  }
0x5a: {  	_ =	shalt  }
0x5b: {  	_ =	shalt  }
0x5c: {  	_ =	shalt  }
0x5d: {  	_ =	shalt  }
0x5e: {  	_ =	shalt  }
0x5f: {  	_ =	shalt  }
0x60: {  	_ =	shalt  }
0x61: {  	_ =	shalt  }
0x62: {  	_ =	shalt  }
0x63: {  	_ =	shalt  }
0x64: {  	_ =	shalt  }
0x65: {  	_ =	shalt  }
0x66: {  	_ =	shalt  }
0x67: {  	_ =	shalt  }
0x68: {  	_ =	shalt  }
0x69: {  	_ =	shalt  }
0x6a: {  	_ =	shalt  }
0x6b: {  	_ =	shalt  }
0x6c: {  	_ =	shalt  }
0x6d: {  	_ =	shalt  }
0x6e: {  	_ =	shalt  }
0x6f: {  	_ =	shalt  }
0x70: {  	_ =	shalt  }
0x71: {  	_ =	shalt  }
0x72: {  	_ =	shalt  }
0x73: {  	_ =	shalt  }
0x74: {  	_ =	shalt  }
0x75: {  	_ =	shalt  }
0x76: {  	_ =	shalt  }
0x77: {  	_ =	shalt  }
0x78: {  	_ =	shalt  }
0x79: {  	_ =	shalt  }
0x7a: {  	_ =	shalt  }
0x7b: {  	_ =	shalt  }
0x7c: {  	_ =	shalt  }
0x7d: {  	_ =	shalt  }
0x7e: {  	_ =	shalt  }
0x7f: {  	_ =	shalt  }
0x80: {  	_ =	shalt  }
0x81: {  	_ =	shalt  }
0x82: {  	_ =	shalt  }
0x83: {  	_ =	shalt  }
0x84: {  	_ =	shalt  }
0x85: {  	_ =	shalt  }
0x86: {  	_ =	shalt  }
0x87: {  	_ =	shalt  }
.Lfunc_end0:
.L_simem_size_0:
called_computation.1_lowered:
.L_overlay_start_0:
0x88: {  	s2 =	sld [smem:$0x3FD9]  }
0x89: {  	s3 =	sld [smem:$0x3FFE];
	_ =	sdelay $0x1  }
0x8a: {  	s1 =	srdreg.scid  }
0x8b: {  	s0 =	sand.u32 $0x1, s1  }
0x8c: {  	s16 =	sshll.u32 s0, $0xA;
	s2 =	sadd.s32 s3, s2  }
0x8d: {  	s2 =	sadd.s32 s2, s16  }
0x8e: {  	[smem:$0x3FB1] =	sst s2  }
0x8f: {  	_ = 	snop  }
0x90: {  	(tm) =	ssettm $0x1  }
0x91: {  	s17 =	sld [smem:$0x3FFB];
	_ =	sdelay $0x3  }
0x92: {  	_ =	strace s17  }
0x93: {  	s2 =	sld [smem:$0x3FFC];
	_ =	sdelay $0x3  }
0x94: {  	_ =	strace s2  }
0x95: {  	s2 =	sld [smem:$0x3FFD];
	_ =	sdelay $0x3  }
0x96: {  	_ =	strace s2  }
0x97: {  	_ =	strace $0x8FFFFFFF  }
0x98: {  	s18 =	sld [smem:$0x3FDB];
	_ =	sdelay $0x1  }
0x99: {  	s19 =	simm.s32 $_scs_section_size  }
0x9a: {  	s4 =	simm.s32 $_size__tile_overlayer_lowered;
	s5 =	simm.s32 $_tile_overlayer_lowered  }
0x9b: {  	s22 =	simm.s32 $0x1BFF;
	s21 =	sshll.u32 s5, $0x1;
	s2 =	sadd.s32 s19, s18  }
0x9c: {  	s6 =	simm.s32 $0x0;
	s20 =	sshll.u32 s4, $0x1;
	s4 =	sadd.s32 s21, s2  }
0x9d: {  	[timem:s6], [sflag:s22] =	dma.local [hbm:s4], s20  }
0x9e: {  	_ =	swait.ge [sflag:s22], s20  }
0x9f: {  	s3 =	ssub.s32 $0x0, s20;
	[sflag:s22] =	ssyncset.done $0x0  }
0xa0: {  	[sflag:s22] =	ssyncadd.s32 s3;
	_ =	sdelay $0x1  }
0xa1: {  	s23 =	simm.s32 $0x1B8B  }
0xa2: {  	_ =	swait.ge [sflag:s23], $0x1  }
0xa3: {  	[sflag:s23] =	ssyncset.done $0x0  }
0xa4: {  	s25 =	simm.s32 $0x1B8E;
	s24 =	sld [smem:$0x3FFE];
	[sflag:s23] =	ssyncadd.s32 $0xFFFFFFFF  }
0xa5: {  	s26 =	simm.s32 $execute0_lowered;
	[smem:$0x3FD2] =	sst s25  }
0xa6: {  	s4 =	sshll.u32 s26, $0x1;
	_ =	strace $0x80000049;
	[dreg:$0x1] =	wrdreg $0xFFFFFFFF  }
0xa7: {  	s28 =	simm.s32 $_size_execute0_lowered;
	s2 =	sadd.s32 s2, s4;
	[dreg:$0x0] =	wrdreg $0x0  }
0xa8: {  	s4 =	sshll.u32 s28, $0x1;
	[dreg:$0x2] =	wrdreg s2  }
0xa9: {  	[dreg:$0x3] =	wrdreg s4  }
0xaa: {  	[dreg:$0x4] =	wrdreg $0xC0  }
0xab: {  	_ =	task [dreg:s6], $0x5FFFF  }
0xac: {  	[dreg:$0x1] =	wrdreg $0xFFFFFFFF  }
0xad: {  	[dreg:$0x0] =	wrdreg $0x60  }
0xae: {  	[dreg:$0x2] =	wrdreg s24  }
0xaf: {  	[dreg:$0x3] =	wrdreg $0x94000  }
0xb0: {  	[dreg:$0x4] =	wrdreg $0x9  }
0xb1: {  	_ =	task.clear_ibuf [dreg:s6], $0x5FFFF;
	_ =	strace $0x90000049  }
0xb2: {  	s29 =	simm.s32 $0x9;
	_ =	strace $0x8000004B  }
0xb3: {  	_ =	swait.ge [sflag:s29], $0x1  }
0xb4: {  	[sflag:s29] =	ssyncadd.s32 $0xFFFFFFFF  }
0xb5: {  	_ =	strace $0x9000004B  }
0xb6: {  	_ =	sfence  }
0xb7: {  	s30 =	sld [smem:$0x0];
	_ =	sdelay $0x2  }
0xb8: {  	s31 =	sshll.u32 s1, $0xD;
	s1 =	sshrl.u32 s1, $0x2  }
0xb9: {  	s3 =	sand.u32 $0x4000, s31;
	s1 =	sadd.s32 s1, s30  }
0xba: {  	s0 =	sor.u32 s3, s0;
	s1 =	sshll.u32 s1, $0x11  }
0xbb: {  	s0 =	sor.u32 s1, s0  }
0xbc: {  	s0 =	sadd.s32 $0x8F2B, s0  }
0xbd: {  	[sflag:s0] =	ssyncadd.remote.s32 $0x1  }
0xbe: {  	_ =	sfence.sel $0xFFFF  }
0xbf: {  	[dreg:$0x0] =	wrdreg $0xFFFFFFFF;
	(pc) =	sbr.abs _section_cstart, $3  }
0xc0: {  	[dreg:$0x1] =	wrdreg $0xFFFFFFFF  }
0xc1: {  	_ =	task.clear_ibuf [dreg:s6], $0x2FFFF;
	_ =	strace $0x9FFFFFFF  }
0xc2: {  	(tm) =	ssettm $0x7FFFFFFF  }
0xc3: {  	_ =	shalt  }
tec
execute0_lowered:
.L_overlay_start_1:
0x0: {  	(tag) =	ssettag $0x1  }
0x1: {  	s4 =	rddreg [dreg:$0x0];
	s1 =	stileid.u32  }
0x2: {  	s2 =	rddreg [dreg:$0x1];
	s11 =	smul.u32 $0x50000, s1  }
0x3: {  	s0 =	rddreg [dreg:$0x2];
	s21 =	smul.u32 $0x2800, s1  }
0x4: {  	s5 =	srdreg.scid;
	s15 =	smul.u32 $0x140000, s1  }
0x5: {  	s3 =	simm.s32 $0x0;
	s9 =	sand.u32 $0x1, s5;
	s28 =	smul.u32 $0x28000, s1  }
0x6: {  	s16 =	sshll.u32 s1, $0x1;
	[smem:$0x7FF] =	sst s3;
	s6 =	smul.u32 $0x28000, s9  }
0x7: {  	s10 =	sadd.s32 $0x7D4200, s4;
	s22 =	sshll.u32 s1, $0x6;
	s23 =	smul.u32 $0xA0000, s9  }
0x8: {  	s8 =	sor.u32 s9, s16;
	_ =	strace $0x8000004A;
	s29 =	smul.u32 $0x14000, s9  }
0x9: {  	s7 =	ssub.s32 $0x2, s9;
	s16 =	simm.s32 $0x1;
	s5 =	smul.u32 $0x1400, s8  }
0xa: {  	s17 =	sshrl.u32 s7, $0x1;
	s18 =	sshrl.u32 s11, $0x2;
	s20 =	smul.u32 $0xA0000, s8  }
0xb: {  	s24 =	smul.u32 $0x14000, s8;
	s13 =	sadd.s32 s6, s4;
	s7 =	ssub.s32 s7, s17  }
0xc: {  	s14 =	sadd.s32 s18, s2;
	s26 =	sadd.s32 s23, s15;
	s15 =	simm.s32 $0x5400  }
0xd: {  	s17 =	simm.s32 $0x80;
	s18 =	simm.s32 $0x2;
	s5 =	sshrl.u32 s5, $0x3  }
0xe: {  	s19 =	sadd.s32 s21, s13;
	s7 =	smax.u32 s7, $0x1;
	s25 =	sshrl.u32 s20, $0x3  }
0xf: {  	s11 =	sor.u32 $0x8000, s26;
	s30 =	sadd.s32 s24, s10;
	s20 =	simm.s32 $0x4  }
0x10: {  	s12 =	sadd.s32 s5, s4;
	s4 =	sadd.s32 $0x2E3200, s19;
	s5 =	sor.u32 $0x1C05, s22  }
0x11: {  	s22 =	sadd.s32 $0x9200, s13;
	s8 =	sadd.s32 s10, s25;
	s11 =	sshrl.u32 s11, $0x3  }
0x12: {  	s9 =	sadd.s32 $0x800, s30;
	s13 =	simm.s32 $0x5;
	s19 =	simm.s32 $0x3  }
0x13: {  	s6 =	sadd.s32 $0x4200, s12;
	s12 =	sadd.s32 s28, s10;
	s10 =	sadd.s32 s11, s10  }
0x14: {  	s21 =	sadd.s32 s21, s22;
	s22 =	simm.s32 $0x0;
	s31 =	sadd.s32 s29, s12  }
0x15: {  	s12 =	sshrl.u32 s14, $0x3;
	s14 =	simm.s32 $0x1400;
	s11 =	sadd.s32 $0x1800, s31  }
.LBB2_1:
0x16: {  	[spmem:s12], [sflag:s5] =	dma.local [hbm:s4], $0x2800  }
0x17: {  	_ =	swait.ge [sflag:s13], $0x2800  }
0x18: {  	[sflag:s13] =	ssyncset.done $0x0  }
0x19: {  	[sflag:s13] =	ssyncadd.s32 $0xFFFFD800  }
0x1a: {  	[tilespmem:s3], [sflag:$0x5] =	stream.linear.gather [hbm4b:s6+s3], $0x1400, $0x38;
	[tilespmem:$0x1D400] =	vst v63  }
0x1b: {  	_ =	swait.ge [sflag:s13], $0x1400  }
0x1c: {  	[sflag:s13] =	ssyncset.done $0x0  }
0x1d: {  	[sflag:s13] =	ssyncadd.s32 $0xFFFFEC00  }
0x1e: {  	[bflag:$0x0] =	sbarrier.arrive $0xFFFF  }
0x1f: {  	[tilespmem:s14], [sflag:$0x1] =	stream.linear.gather [hbm4b:s8+s3], $0x4000, $0x38;
	[tilespmem:$0x1D400] =	vst v63  }
0x20: {  	_ = 	snop  }
0x21: {  	[tilespmem:s15], [sflag:$0x2] =	stream.linear.gather [hbm4b:s9+s3], $0x4000, $0x38;
	[tilespmem:$0x1D400] =	vst v63  }
0x22: {  	_ =	swait.ge [sflag:s16], $0x4000  }
0x23: {  	[sflag:s16] =	ssyncset.done $0x0  }
0x24: {  	[sflag:s16] =	ssyncadd.s32 $0xFFFFC000  }
0x25: {  	[spmem:s2] =	stream.indirect.scatter.add.f32 [tilespmem:s14], [sflag:$0x3], $0x80, s3, s17, $0xb8;
	[tilespmem:$0x1D400] =	vst v63  }
0x26: {  	_ =	swait.ge [sflag:s18], $0x4000  }
0x27: {  	[sflag:s18] =	ssyncset.done $0x0  }
0x28: {  	[sflag:s18] =	ssyncadd.s32 $0xFFFFC000  }
0x29: {  	[spmem:s2] =	stream.indirect.scatter.add.f32 [tilespmem:s15], [sflag:$0x4], $0x80, s17, s17, $0xb8;
	[tilespmem:$0x1D400] =	vst v63  }
0x2a: {  	_ =	swait.ge [sflag:s19], $0x4000  }
0x2b: {  	[sflag:s19] =	ssyncset.done $0x0  }
0x2c: {  	[sflag:s19] =	ssyncadd.s32 $0xFFFFC000  }
0x2d: {  	_ =	swait.ge [sflag:s20], $0x4000  }
0x2e: {  	[sflag:s20] =	ssyncset.done $0x0  }
0x2f: {  	s23 =	sadd.s32 $0x0, s10;
	[sflag:s20] =	ssyncadd.s32 $0xFFFFC000  }
0x30: {  	[tilespmem:s14], [sflag:$0x1] =	stream.linear.gather [hbm4b:s23+s3], $0x4000, $0x38;
	[tilespmem:$0x1D400] =	vst v63  }
0x31: {  	s30 =	sadd.s32 $0x0, s11  }
0x32: {  	[tilespmem:s15], [sflag:$0x2] =	stream.linear.gather [hbm4b:s30+s3], $0x4000, $0x38;
	[tilespmem:$0x1D400] =	vst v63  }
0x33: {  	_ =	swait.ge [sflag:s16], $0x4000  }
0x34: {  	[sflag:s16] =	ssyncset.done $0x0  }
0x35: {  	s31 =	simm.s32 $0x100;
	[sflag:s16] =	ssyncadd.s32 $0xFFFFC000  }
0x36: {  	[spmem:s2] =	stream.indirect.scatter.add.f32 [tilespmem:s14], [sflag:$0x3], $0x80, s31, s17, $0xb8;
	[tilespmem:$0x1D400] =	vst v63  }
0x37: {  	_ =	swait.ge [sflag:s18], $0x4000  }
0x38: {  	s25 =	simm.s32 $0x180;
	[sflag:s18] =	ssyncset.done $0x0  }
0x39: {  	s24 =	simm.s32 $0x200;
	s23 =	simm.s32 $0x1000;
	[sflag:s18] =	ssyncadd.s32 $0xFFFFC000  }
.LBB2_2:
0x3a: {  	[spmem:s2] =	stream.indirect.scatter.add.f32 [tilespmem:s15], [sflag:$0x4], $0x80, s25, s17, $0xb8;
	[tilespmem:$0x1D400] =	vst v63  }
0x3b: {  	s25 =	smov.u32 s23  }
0x3c: {  	p0 =	sne.s32 s23, $0x12000;
	s23 =	sadd.s32 $0x1000, s23;
	_ =	swait.ge [sflag:s19], $0x4000  }
0x3d: {  	[sflag:s19] =	ssyncset.done $0x0  }
0x3e: {  	[sflag:s19] =	ssyncadd.s32 $0xFFFFC000  }
0x3f: {  	_ =	swait.ge [sflag:s20], $0x4000  }
0x40: {  	[sflag:s20] =	ssyncset.done $0x0  }
0x41: {  	s26 =	sadd.s32 s25, s10;
	[sflag:s20] =	ssyncadd.s32 $0xFFFFC000  }
0x42: {  	[tilespmem:s14], [sflag:$0x1] =	stream.linear.gather [hbm4b:s26+s3], $0x4000, $0x38;
	[tilespmem:$0x1D400] =	vst v63  }
0x43: {  	s25 =	sadd.s32 s25, s11  }
0x44: {  	[tilespmem:s15], [sflag:$0x2] =	stream.linear.gather [hbm4b:s25+s3], $0x4000, $0x38;
	[tilespmem:$0x1D400] =	vst v63  }
0x45: {  	_ =	swait.ge [sflag:s16], $0x4000  }
0x46: {  	[sflag:s16] =	ssyncset.done $0x0  }
.Ltmp0:
0x47: {  	[sflag:s16] =	ssyncadd.s32 $0xFFFFC000;
	(pc) =	sbr.rel @p0 .LBB2_2-.Ltmp0, $4  }
0x48: {  	[spmem:s2] =	stream.indirect.scatter.add.f32 [tilespmem:s14], [sflag:$0x3], $0x80, s24, s17, $0xb8;
	[tilespmem:$0x1D400] =	vst v63  }
0x49: {  	_ =	swait.ge [sflag:s18], $0x4000  }
0x4a: {  	[sflag:s18] =	ssyncset.done $0x0  }
0x4b: {  	s25 =	sadd.s32 $0x80, s24;
	s24 =	sadd.s32 $0x100, s24;
	[sflag:s18] =	ssyncadd.s32 $0xFFFFC000  }
0x4c: {  	[spmem:s2] =	stream.indirect.scatter.add.f32 [tilespmem:s15], [sflag:$0x4], $0x80, s25, s17, $0xb8;
	[tilespmem:$0x1D400] =	vst v63  }
0x4d: {  	_ =	swait.ge [sflag:s19], $0x4000  }
0x4e: {  	[sflag:s19] =	ssyncset.done $0x0  }
0x4f: {  	[sflag:s19] =	ssyncadd.s32 $0xFFFFC000  }
0x50: {  	_ =	swait.ge [sflag:s20], $0x4000  }
0x51: {  	s22 =	sadd.s32 $0x1, s22;
	[sflag:s20] =	ssyncset.done $0x0  }
0x52: {  	p0 =	sne.s32 s22, s7;
	[sflag:s20] =	ssyncadd.s32 $0xFFFFC000  }
.Ltmp1:
0x53: {  	[bflag:$0x0] =	sbarrier.arrive $0xFFFF;
	(pc) =	sbr.rel @p0 .LBB2_1-.Ltmp1, $4  }
0x54: {  	[hbm:s21], [sflag:s5] =	dma.local [spmem:s12], $0x2800  }
0x55: {  	_ =	swait.ge [sflag:s13], $0x2800  }
0x56: {  	[sflag:s13] =	ssyncset.done $0x0  }
0x57: {  	[sflag:s13] =	ssyncadd.s32 $0xFFFFD800  }
0x58: {  	_ =	sfence.sel $0x180000  }
0x59: {  	[bflag:$0x0] =	sbarrier.arrive $0xFFFF  }
0x5a: {  	p0 =	sne.s32 s1, $0x0;
	_ =	strace $0x9000004A  }
0x5b: {  	s0 =	sadd.s32 @!p0 $0x100000, s0;
	[bflag:$0x2] =	sbarrier.arrive $0xFFFF  }
0x5c: {  	[sflag:s0] =	ssyncadd.tile.s32 @!p0 $0x1;
	_ =	shalt  }
.Lfunc_end2:
_tile_overlayer_lowered:
.L_overlay_start_2:
0x5d: {  	(tag) =	ssettag $0x2  }
0x5e: {  	s0 =	rddreg [dreg:$0x0];
	s2 =	stileid.u32  }
0x5f: {  	s1 =	rddreg [dreg:$0x1];
	p0 =	sne.s32 s2, $0x0  }
0x60: {  	s3 =	rddreg [dreg:$0x2];
	[bflag:$0x3] =	sbarrier.arrive $0xFFFF;
	s2 =	simm.s32 @!p0 $0x1C05  }
0x61: {  	[timem:s3], [sflag:s2] =	dma.local @!p0 [hbm:s0], s1  }
0x62: {  	s0 =	simm.s32 @!p0 $0x5  }
0x63: {  	_ =	swait.ge @!p0 [sflag:s0], s1  }
0x64: {  	s1 =	ssub.s32 @!p0 $0x0, s1;
	[sflag:s0] =	ssyncset.done @!p0 $0x0  }
0x65: {  	[sflag:s0] =	ssyncadd.s32 @!p0 s1  }
0x66: {  	[bflag:$0x3] =	sbarrier.arrive $0xFFFF  }
0x67: {  	_ =	shalt  }

// kernel: kernel.7.cloned.1.call-start
scs
__scs_entry_jumppad:
0x0: {  	(pc) =	sbr.rel $0x88, $3  }
0x1: {  	(tag) =	ssettag $0x0;
	lr =	simm.s32 $0x1  }
0x2: {  	[smem:$0x3F8A] =	sst lr;
	_ =	strace $0xD0000000  }
0x3: {  	_ = 	snop  }
0x4: {  	_ = 	snop  }
0x5: {  	_ = 	snop  }
0x6: {  	_ = 	snop  }
0x7: {  	_ = 	snop  }
__scs_overlays_trampoline_lowered:
0x8: {  	[smem:$0x3F99] =	sst s0  }
0x9: {  	[smem:$0x3F9A] =	sst s1  }
0xa: {  	[smem:$0x3F9B] =	sst s2  }
0xb: {  	[smem:$0x3F9C] =	sst s3  }
0xc: {  	[smem:$0x3F9D] =	sst s4  }
0xd: {  	[smem:$0x3F9E] =	sst s5  }
0xe: {  	[smem:$0x3F9F] =	sst s6  }
0xf: {  	[smem:$0x3FA0] =	sst s7  }
0x10: {  	[smem:$0x3FA1] =	sst s8  }
0x11: {  	[smem:$0x3FA2] =	sst s9;
	s0 =	simm.s32 @!p0 $0x0  }
0x12: {  	s1 =	sld [smem:$0x3F88];
	s0 =	simm.s32 @p0 $0x1  }
0x13: {  	[smem:$0x3FA3] =	sst s0;
	s0 =	simm.s32 @!p1 $0x0  }
0x14: {  	s2 =	sld [smem:$0x3F87];
	s0 =	simm.s32 @p1 $0x1  }
0x15: {  	[smem:$0x3FA4] =	sst s0;
	s0 =	simm.s32 @!p2 $0x0  }
0x16: {  	s3 =	sld [smem:$0x3FDB];
	s0 =	simm.s32 @p2 $0x1  }
0x17: {  	s4 =	simm.s32 $0x1BF5;
	[smem:$0x3FA6] =	sst s0  }
0x18: {  	s0 =	sld [smem:$0x3F89];
	_ =	swait.ge [sflag:s4], $0x0  }
0x19: {  	s7 =	sld [smem:$0x3F8A]  }
0x1a: {  	s8 =	sadd.s32 $0xFFFFE003, lr  }
0x1b: {  	s9 =	sadd.s32 $0xFFFFFEF7, lr;
	s5 =	simm.s32 $0xFFFFFFFF;
	p2 =	slt.u32 s8, $0xFFFFF086  }
0x1c: {  	p1 =	slt.u32 s9, $0xF7A;
	s5 =	simm.s32 @!p2 $0x0  }
0x1d: {  	s5 =	simm.s32 @p1 $0x1;
	p0 =	seq.s32 s7, s2  }
0x1e: {  	s7 =	smul.u32 @!p0 $0xF7A, s2;
	p2 =	seq.s32 @!p0 s5, $0x0  }
0x1f: {  	s9 =	smul.u32 $0xF7A, s1;
	s8 =	simm.s32 @!p0 $0x1BF5;
	p2 =	por !p2, p0  }
0x20: {  	[sflag:s8] =	ssyncset.s32 @!p0 $0xFFFFF086;
	s6 =	sadd.s32 @!p0 s3, s7;
	s7 =	simm.s32 @!p0 $0x108  }
0x21: {  	s3 =	sadd.s32 s3, s9;
	s6 =	sadd.s32 @!p0 $0x88, s6;
	s7 =	simm.s32 @p2 $0x1082  }
0x22: {  	[simem:s7], [sflag:s8] =	dma.local @!p0 [hbm:s6], $0xF7A  }
0x23: {  	s9 =	sor.u32 $0xD0000000, s2;
	s6 =	simm.s32 $0x108;
	_ =	swait.ge @!p0 [sflag:s8], $0x0  }
0x24: {  	s3 =	sadd.s32 $0x88, s3;
	s6 =	simm.s32 @!p1 $0x1082;
	[sflag:s4] =	ssyncset.s32 $0xFFFFF086  }
0x25: {  	[simem:s6], [sflag:s4] =	dma.local [hbm:s3], $0xF7A  }
0x26: {  	[smem:$0x3F8A] =	sst s1;
	(tag) =	ssettag s2;
	_ =	strace s9  }
0x27: {  	s1 =	sld [smem:$0x3F9A]  }
0x28: {  	s2 =	sld [smem:$0x3F9B]  }
0x29: {  	s4 =	sld [smem:$0x3F9D]  }
0x2a: {  	p0 =	seq.s32 s5, $0x0;
	s5 =	sld [smem:$0x3F9E]  }
0x2b: {  	s6 =	sld [smem:$0x3F9F]  }
0x2c: {  	s7 =	sld [smem:$0x3FA0]  }
0x2d: {  	s3 =	simm.s32 $0x108;
	s8 =	sld [smem:$0x3FA1]  }
0x2e: {  	s3 =	simm.s32 @!p0 $0x1082;
	s9 =	sld [smem:$0x3FA2]  }
0x2f: {  	lr =	sadd.s32 s0, s3;
	s0 =	sld [smem:$0x3F99]  }
0x30: {  	s3 =	sld [smem:$0x3F9C]  }
0x31: {  	[smem:$0x3FA5] =	sst s10  }
0x32: {  	s10 =	sld [smem:$0x3FA3];
	_ =	sdelay $0x3  }
0x33: {  	p0 =	seq.s32 s10, $0x1;
	s10 =	sld [smem:$0x3FA5];
	_ =	sdelay $0x3  }
0x34: {  	[smem:$0x3FA5] =	sst s10  }
0x35: {  	s10 =	sld [smem:$0x3FA4];
	_ =	sdelay $0x3  }
0x36: {  	p1 =	seq.s32 s10, $0x1;
	s10 =	sld [smem:$0x3FA5];
	_ =	sdelay $0x3  }
0x37: {  	[smem:$0x3FA5] =	sst s10  }
0x38: {  	s10 =	sld [smem:$0x3FA6]  }
0x39: {  	_ = 	snop;
	(pc) =	sbr.ind lr, $3  }
0x3a: {  	_ = 	snop  }
0x3b: {  	_ = 	snop  }
0x3c: {  	p2 =	seq.s32 s10, $0x1;
	s10 =	sld [smem:$0x3FA5]  }
0x3d: {  	_ =	shalt  }
0x3e: {  	_ =	shalt  }
0x3f: {  	_ =	shalt  }
0x40: {  	_ =	shalt  }
0x41: {  	_ =	shalt  }
0x42: {  	_ =	shalt  }
0x43: {  	_ =	shalt  }
0x44: {  	_ =	shalt  }
0x45: {  	_ =	shalt  }
0x46: {  	_ =	shalt  }
0x47: {  	_ =	shalt  }
0x48: {  	_ =	shalt  }
0x49: {  	_ =	shalt  }
0x4a: {  	_ =	shalt  }
0x4b: {  	_ =	shalt  }
0x4c: {  	_ =	shalt  }
0x4d: {  	_ =	shalt  }
0x4e: {  	_ =	shalt  }
0x4f: {  	_ =	shalt  }
0x50: {  	_ =	shalt  }
0x51: {  	_ =	shalt  }
0x52: {  	_ =	shalt  }
0x53: {  	_ =	shalt  }
0x54: {  	_ =	shalt  }
0x55: {  	_ =	shalt  }
0x56: {  	_ =	shalt  }
0x57: {  	_ =	shalt  }
0x58: {  	_ =	shalt  }
0x59: {  	_ =	shalt  }
0x5a: {  	_ =	shalt  }
0x5b: {  	_ =	shalt  }
0x5c: {  	_ =	shalt  }
0x5d: {  	_ =	shalt  }
0x5e: {  	_ =	shalt  }
0x5f: {  	_ =	shalt  }
0x60: {  	_ =	shalt  }
0x61: {  	_ =	shalt  }
0x62: {  	_ =	shalt  }
0x63: {  	_ =	shalt  }
0x64: {  	_ =	shalt  }
0x65: {  	_ =	shalt  }
0x66: {  	_ =	shalt  }
0x67: {  	_ =	shalt  }
0x68: {  	_ =	shalt  }
0x69: {  	_ =	shalt  }
0x6a: {  	_ =	shalt  }
0x6b: {  	_ =	shalt  }
0x6c: {  	_ =	shalt  }
0x6d: {  	_ =	shalt  }
0x6e: {  	_ =	shalt  }
0x6f: {  	_ =	shalt  }
0x70: {  	_ =	shalt  }
0x71: {  	_ =	shalt  }
0x72: {  	_ =	shalt  }
0x73: {  	_ =	shalt  }
0x74: {  	_ =	shalt  }
0x75: {  	_ =	shalt  }
0x76: {  	_ =	shalt  }
0x77: {  	_ =	shalt  }
0x78: {  	_ =	shalt  }
0x79: {  	_ =	shalt  }
0x7a: {  	_ =	shalt  }
0x7b: {  	_ =	shalt  }
0x7c: {  	_ =	shalt  }
0x7d: {  	_ =	shalt  }
0x7e: {  	_ =	shalt  }
0x7f: {  	_ =	shalt  }
0x80: {  	_ =	shalt  }
0x81: {  	_ =	shalt  }
0x82: {  	_ =	shalt  }
0x83: {  	_ =	shalt  }
0x84: {  	_ =	shalt  }
0x85: {  	_ =	shalt  }
0x86: {  	_ =	shalt  }
0x87: {  	_ =	shalt  }
.Lfunc_end0:
.L_simem_size_0:
called_computation_lowered:
.L_overlay_start_0:
0x88: {  	s2 =	sld [smem:$0x3FD9]  }
0x89: {  	s3 =	sld [smem:$0x3FFE];
	_ =	sdelay $0x1  }
0x8a: {  	s1 =	srdreg.scid  }
0x8b: {  	s0 =	sand.u32 $0x1, s1  }
0x8c: {  	s17 =	sshll.u32 s0, $0xA;
	s2 =	sadd.s32 s3, s2  }
0x8d: {  	s2 =	sadd.s32 s2, s17  }
0x8e: {  	[smem:$0x3FB1] =	sst s2  }
0x8f: {  	_ = 	snop  }
0x90: {  	s2 =	sld [smem:$0x3FD0];
	(tm) =	ssettm $0x1  }
0x91: {  	s18 =	sld [smem:$0x3FFB];
	_ =	sdelay $0x3  }
0x92: {  	_ =	strace s18  }
0x93: {  	s3 =	sld [smem:$0x3FFC];
	_ =	sdelay $0x3  }
0x94: {  	_ =	strace s3  }
0x95: {  	s3 =	sld [smem:$0x3FFD];
	_ =	sdelay $0x3  }
0x96: {  	_ =	strace s3  }
0x97: {  	_ =	strace $0x8FFFFFFF  }
0x98: {  	s19 =	sld [smem:$0x3FDB];
	_ =	sdelay $0x1  }
0x99: {  	s4 =	simm.s32 $_scs_section_size  }
0x9a: {  	s5 =	simm.s32 $_size__tile_overlayer_lowered;
	s6 =	simm.s32 $_tile_overlayer_lowered  }
0x9b: {  	s22 =	simm.s32 $0x1BFF;
	s21 =	sshll.u32 s6, $0x1;
	s3 =	sadd.s32 s4, s19  }
0x9c: {  	s7 =	simm.s32 $0x0;
	s20 =	sshll.u32 s5, $0x1;
	s5 =	sadd.s32 s21, s3  }
0x9d: {  	[timem:s7], [sflag:s22] =	dma.local [hbm:s5], s20  }
0x9e: {  	_ =	swait.ge [sflag:s22], s20  }
0x9f: {  	s4 =	ssub.s32 $0x0, s20;
	[sflag:s22] =	ssyncset.done $0x0  }
0xa0: {  	[sflag:s22] =	ssyncadd.s32 s4;
	_ =	sdelay $0x1  }
0xa1: {  	s23 =	simm.s32 $0x1B8B  }
0xa2: {  	_ =	swait.ge [sflag:s23], $0x1  }
0xa3: {  	[sflag:s23] =	ssyncset.done $0x0  }
0xa4: {  	s25 =	simm.s32 $0x1B8E;
	s24 =	sld [smem:$0x3FFE];
	[sflag:s23] =	ssyncadd.s32 $0xFFFFFFFF  }
0xa5: {  	s26 =	simm.s32 $execute0_lowered;
	[smem:$0x3FD2] =	sst s25  }
0xa6: {  	s5 =	sshll.u32 s26, $0x1;
	_ =	strace $0x80000046;
	[dreg:$0x1] =	wrdreg $0xFFFFFFFF  }
0xa7: {  	s28 =	simm.s32 $_size_execute0_lowered;
	s3 =	sadd.s32 s3, s5;
	[dreg:$0x0] =	wrdreg $0x0  }
0xa8: {  	s5 =	sshll.u32 s28, $0x1;
	[dreg:$0x2] =	wrdreg s3  }
0xa9: {  	[dreg:$0x3] =	wrdreg s5  }
0xaa: {  	[dreg:$0x4] =	wrdreg $0xC0  }
0xab: {  	_ =	task [dreg:s7], $0x5FFFF  }
0xac: {  	[dreg:$0x1] =	wrdreg $0xFFFFFFFF  }
0xad: {  	[dreg:$0x0] =	wrdreg $0x60  }
0xae: {  	[dreg:$0x2] =	wrdreg s24  }
0xaf: {  	[dreg:$0x3] =	wrdreg s2  }
0xb0: {  	[dreg:$0x4] =	wrdreg $0xA8000  }
0xb1: {  	[dreg:$0x5] =	wrdreg $0x9  }
0xb2: {  	_ =	task.clear_ibuf [dreg:s7], $0x6FFFF;
	_ =	strace $0x90000046  }
0xb3: {  	s29 =	simm.s32 $0x9;
	_ =	strace $0x80000048  }
0xb4: {  	_ =	swait.ge [sflag:s29], $0x1  }
0xb5: {  	[sflag:s29] =	ssyncadd.s32 $0xFFFFFFFF  }
0xb6: {  	_ =	strace $0x90000048  }
0xb7: {  	_ =	sfence  }
0xb8: {  	s30 =	sld [smem:$0x0];
	_ =	sdelay $0x2  }
0xb9: {  	s31 =	sshll.u32 s1, $0xD;
	s1 =	sshrl.u32 s1, $0x2  }
0xba: {  	s3 =	sand.u32 $0x4000, s31;
	s1 =	sadd.s32 s1, s30  }
0xbb: {  	s0 =	sor.u32 s3, s0;
	s1 =	sshll.u32 s1, $0x11  }
0xbc: {  	s0 =	sor.u32 s1, s0  }
0xbd: {  	s0 =	sadd.s32 $0x8F2B, s0  }
0xbe: {  	[sflag:s0] =	ssyncadd.remote.s32 $0x1  }
0xbf: {  	_ =	sfence.sel $0xFFFF  }
0xc0: {  	[dreg:$0x0] =	wrdreg $0xFFFFFFFF;
	(pc) =	sbr.abs _section_cstart, $3  }
0xc1: {  	[dreg:$0x1] =	wrdreg $0xFFFFFFFF  }
0xc2: {  	_ =	task.clear_ibuf [dreg:s7], $0x2FFFF;
	_ =	strace $0x9FFFFFFF  }
0xc3: {  	(tm) =	ssettm $0x7FFFFFFF  }
tec
execute0_lowered:
.L_overlay_start_1:
0x0: {  	(tag) =	ssettag $0x1  }
0x1: {  	s6 =	rddreg [dreg:$0x0]  }
0x2: {  	s2 =	rddreg [dreg:$0x1]  }
0x3: {  	s3 =	rddreg [dreg:$0x2];
	s0 =	stileid.u32;
	s4 =	simm.s32 $0x0  }
0x4: {  	s7 =	srdreg.scid;
	s15 =	simm.s32 $0x40;
	s16 =	simm.s32 $0x800  }
0x5: {  	s17 =	simm.s32 $0x4800;
	s18 =	simm.s32 $0x2800;
	s19 =	simm.s32 $0x6800  }
0x6: {  	s20 =	simm.s32 $0x1;
	s21 =	simm.s32 $0x2;
	s22 =	simm.s32 $0x8800  }
0x7: {  	s23 =	simm.s32 $0x3;
	s24 =	simm.s32 $0x4;
	s25 =	simm.s32 $0x5  }
0x8: {  	s26 =	simm.s32 $0x0;
	s5 =	smul.u32 $0x2800, s0;
	[smem:$0x7FF] =	sst s4  }
0x9: {  	s7 =	sand.u32 $0x1, s7;
	s10 =	smul.u32 $0x50000, s0;
	s12 =	sshll.u32 s0, $0x1  }
0xa: {  	s30 =	sshll.u32 s0, $0x6;
	_ =	strace $0x80000047;
	s9 =	ssub.s32 $0x2, s7  }
0xb: {  	s12 =	sor.u32 s7, s12;
	s8 =	sadd.s32 s5, s6;
	s5 =	sadd.s32 $0x9200, s6  }
0xc: {  	s6 =	sadd.s32 $0x63200, s6;
	s11 =	sshrl.u32 s9, $0x1;
	s14 =	smul.u32 $0x14000, s12  }
0xd: {  	s29 =	sshrl.u32 s10, $0x2;
	s10 =	smul.u32 $0xA0000, s12;
	s11 =	ssub.s32 s9, s11  }
0xe: {  	s13 =	sadd.s32 s29, s3;
	s7 =	sadd.s32 $0x13200, s8;
	s8 =	sor.u32 $0x1C06, s30  }
0xf: {  	s9 =	smul.u32 $0xA, s12;
	s11 =	smax.u32 s11, $0x1;
	s31 =	sadd.s32 s14, s6  }
0x10: {  	s13 =	sshrl.u32 s13, $0x3;
	s14 =	simm.s32 $0x6;
	s12 =	sadd.s32 $0x400, s31  }
.LBB2_1:
0x11: {  	[spmem:s13], [sflag:s8] =	dma.local [hbm:s7], $0x2800  }
0x12: {  	_ =	swait.ge [sflag:s14], $0x2800  }
0x13: {  	[sflag:s14] =	ssyncset.done $0x0  }
0x14: {  	[sflag:s14] =	ssyncadd.s32 $0xFFFFD800  }
0x15: {  	s28 =	simm.s32 $0x0;
	[bflag:$0x0] =	sbarrier.arrive $0xFFFF  }
.LBB2_2:
0x16: {  	s29 =	sand.u32 $0x3, s28  }
0x17: {  	p0 =	sne.s32 s29, $0x0  }
0x18: {  	s30 =	sshrl.u32 @!p0 s28, $0x2  }
0x19: {  	s30 =	sadd.s32 @!p0 s9, s30  }
0x1a: {  	s30 =	sshll.u32 @!p0 s30, $0x7  }
0x1b: {  	s30 =	sand.u32 @!p0 $0x1FFFFF80, s30  }
0x1c: {  	s0 =	simm.s32 @!p0 $0x0;
	s31 =	sadd.s32 @!p0 s2, s30  }
0x1d: {  	[tilespmem:s0], [sflag:$0x6] =	stream.linear.gather @!p0 [hbm4b:s31+s0], $0x400, $0x38;
	[tilespmem:$0x1E800] =	vst v63  }
0x1e: {  	s31 =	simm.s32 @!p0 $0x6  }
0x1f: {  	_ =	swait.ge @!p0 [sflag:s31], $0x400  }
0x20: {  	[sflag:s31] =	ssyncset.done @!p0 $0x0  }
0x21: {  	s1 =	simm.s32 @!p0 $0x400;
	s30 =	sadd.s32 @!p0 s5, s30;
	[sflag:s31] =	ssyncadd.s32 @!p0 $0xFFFFFC00  }
0x22: {  	[tilespmem:s1], [sflag:$0x6] =	stream.linear.gather @!p0 [hbm4b:s30+s0], $0x400, $0x38;
	[tilespmem:$0x1E800] =	vst v63  }
0x23: {  	_ =	swait.ge @!p0 [sflag:s31], $0x400  }
0x24: {  	[sflag:s31] =	ssyncset.done @!p0 $0x0  }
0x25: {  	s0 =	sshll.u32 s29, $0x8;
	[sflag:s31] =	ssyncadd.s32 @!p0 $0xFFFFFC00  }
0x26: {  	[tilespmem:s16], [sflag:$0x1] =	stream.indirect.gather [spmem:s3], $0x80, s0, s15, $0xb8;
	[tilespmem:$0x1E800] =	vst v63  }
0x27: {  	s1 =	sor.u32 $0x400, s0  }
0x28: {  	[tilespmem:s17], [sflag:$0x2] =	stream.indirect.gather [spmem:s3], $0x80, s1, s15, $0xb8;
	[tilespmem:$0x1E800] =	vst v63  }
0x29: {  	s1 =	sor.u32 $0x80, s0  }
0x2a: {  	[tilespmem:s18], [sflag:$0x3] =	stream.indirect.gather [spmem:s3], $0x80, s1, s15, $0xb8;
	[tilespmem:$0x1E800] =	vst v63  }
0x2b: {  	s0 =	sor.u32 $0x480, s0  }
0x2c: {  	[tilespmem:s19], [sflag:$0x4] =	stream.indirect.gather [spmem:s3], $0x80, s0, s15, $0xb8;
	[tilespmem:$0x1E800] =	vst v63  }
0x2d: {  	_ =	swait.ge [sflag:s20], $0x2000  }
0x2e: {  	[sflag:s20] =	ssyncset.done $0x0  }
0x2f: {  	[sflag:s20] =	ssyncadd.s32 $0xFFFFE000  }
0x30: {  	_ =	swait.ge [sflag:s21], $0x2000  }
0x31: {  	p0 =	seq.s32 s28, $0x0;
	[sflag:s21] =	ssyncset.done $0x0  }
0x32: {  	s0 =	simm.s32 @!p0 $0x5;
	[sflag:s21] =	ssyncadd.s32 $0xFFFFE000  }
0x33: {  	_ =	swait.ge @!p0 [sflag:s0], $0x2000  }
0x34: {  	[sflag:s0] =	ssyncset.done @!p0 $0x0  }
0x35: {  	s29 =	simm.s32 $0x0;
	[sflag:s0] =	ssyncadd.s32 @!p0 $0xFFFFE000  }
0x36: {  	v0 =	vld [tilespmem:s29+$0x870]  }
0x37: {  	v1 =	vld [tilespmem:s29+$0x4870]  }
0x38: {  	v2 =	vld [tilespmem:s29+$0x800]  }
0x39: {  	v3 =	vld [tilespmem:s29+$0x4800]  }
0x3a: {  	v4 =	vld [tilespmem:s29+$0x810]  }
0x3b: {  	v5 =	vld [tilespmem:s29+$0x4810]  }
0x3c: {  	v6 =	vld [tilespmem:s29+$0x820]  }
0x3d: {  	v7 =	vld [tilespmem:s29+$0x4820];
	v0 =	vand.u32 $0xFFFF, v0;
	v1 =	vand.u32 $0xFFFF0000, v1  }
0x3e: {  	v8 =	vld [tilespmem:s29+$0x830];
	v0 =	vor.u32 v0, v1;
	v1 =	vand.u32 $0xFFFF, v2;
	v2 =	vand.u32 $0xFFFF0000, v3  }
0x3f: {  	v9 =	vld [tilespmem:s29+$0x4830];
	[tilespmem:s29+$0x8870] =	vst v0;
	v0 =	vor.u32 v1, v2  }
0x40: {  	v10 =	vld [tilespmem:s29+$0x4840];
	v1 =	vand.u32 $0xFFFF0000, v5;
	[tilespmem:s29+$0x8800] =	vst v0;
	v0 =	vand.u32 $0xFFFF, v4  }
0x41: {  	v5 =	vld [tilespmem:s29+$0x840];
	v0 =	vor.u32 v0, v1  }
0x42: {  	v2 =	vld [tilespmem:s29+$0x850];
	v1 =	vand.u32 $0xFFFF0000, v7;
	[tilespmem:s29+$0x8810] =	vst v0;
	v0 =	vand.u32 $0xFFFF, v6  }
0x43: {  	v3 =	vld [tilespmem:s29+$0x4850];
	v0 =	vor.u32 v0, v1  }
0x44: {  	v6 =	vand.u32 $0xFFFF0000, v9;
	v1 =	vld [tilespmem:s29+$0x860];
	[tilespmem:s29+$0x8820] =	vst v0;
	v0 =	vand.u32 $0xFFFF, v8  }
0x45: {  	s30 =	simm.s32 $0x80;
	v4 =	vld [tilespmem:s29+$0x4860];
	v6 =	vor.u32 v0, v6  }
0x46: {  	s31 =	simm.s32 $0x400;
	v5 =	vand.u32 $0xFFFF, v5;
	v0 =	vld [tilespmem:s30+$0x870];
	[tilespmem:s29+$0x8830] =	vst v6;
	v6 =	vand.u32 $0xFFFF0000, v10  }
.LBB2_3:
0x47: {  	p0 =	sne.s32 s31, $0x7E00;
	v7 =	vld [tilespmem:s30+$0x4870];
	v5 =	vor.u32 v5, v6;
	v2 =	vand.u32 $0xFFFF, v2  }
0x48: {  	v6 =	vld [tilespmem:s30+$0x800];
	[tilespmem:s29+$0x8840] =	vst v5;
	v3 =	vand.u32 $0xFFFF0000, v3  }
0x49: {  	v5 =	vld [tilespmem:s30+$0x4800];
	v2 =	vor.u32 v2, v3;
	v1 =	vand.u32 $0xFFFF, v1  }
0x4a: {  	v3 =	vld [tilespmem:s30+$0x810];
	[tilespmem:s29+$0x8850] =	vst v2;
	v2 =	vand.u32 $0xFFFF0000, v4  }
0x4b: {  	v4 =	vld [tilespmem:s30+$0x4810];
	v1 =	vor.u32 v1, v2  }
0x4c: {  	v0 =	vand.u32 $0xFFFF, v0;
	v2 =	vld [tilespmem:s30+$0x820];
	v7 =	vand.u32 $0xFFFF0000, v7;
	[tilespmem:s29+$0x8860] =	vst v1;
	s29 =	smov.u32 s30  }
0x4d: {  	v1 =	vand.u32 $0xFFFF, v6;
	v6 =	vld [tilespmem:s29+$0x4820];
	v0 =	vor.u32 v0, v7  }
0x4e: {  	v5 =	vand.u32 $0xFFFF0000, v5;
	v7 =	vld [tilespmem:s29+$0x830];
	[tilespmem:s29+$0x8870] =	vst v0  }
0x4f: {  	v0 =	vor.u32 v1, v5;
	v1 =	vand.u32 $0xFFFF, v3;
	v5 =	vld [tilespmem:s29+$0x4830]  }
0x50: {  	[tilespmem:s29+$0x8800] =	vst v0;
	v0 =	vand.u32 $0xFFFF0000, v4;
	v4 =	vld [tilespmem:s29+$0x840]  }
0x51: {  	v0 =	vor.u32 v1, v0;
	v1 =	vand.u32 $0xFFFF, v2;
	v8 =	vld [tilespmem:s29+$0x4840]  }
.Ltmp0:
0x52: {  	[tilespmem:s29+$0x8810] =	vst v0;
	v0 =	vand.u32 $0xFFFF0000, v6;
	v2 =	vld [tilespmem:s29+$0x850];
	(pc) =	sbr.rel @p0 .LBB2_3-.Ltmp0, $4  }
0x53: {  	v0 =	vor.u32 v1, v0;
	v6 =	vand.u32 $0xFFFF, v7;
	v3 =	vld [tilespmem:s29+$0x4850]  }
0x54: {  	[tilespmem:s29+$0x8820] =	vst v0;
	v0 =	vand.u32 $0xFFFF0000, v5;
	v1 =	vld [tilespmem:s29+$0x860]  }
0x55: {  	s30 =	sshra.s32 s31, $0x2;
	v6 =	vor.u32 v6, v0;
	v5 =	vand.u32 $0xFFFF, v4;
	v4 =	vld [tilespmem:s29+$0x4860]  }
0x56: {  	s31 =	sadd.s32 $0x200, s31;
	v0 =	vld [tilespmem:s30+$0x870];
	[tilespmem:s29+$0x8830] =	vst v6;
	v6 =	vand.u32 $0xFFFF0000, v8  }
0x57: {  	v7 =	vld [tilespmem:s30+$0x4870];
	v5 =	vor.u32 v5, v6  }
0x58: {  	v6 =	vld [tilespmem:s30+$0x800];
	v2 =	vand.u32 $0xFFFF, v2;
	[tilespmem:s29+$0x8840] =	vst v5;
	v3 =	vand.u32 $0xFFFF0000, v3  }
0x59: {  	v5 =	vld [tilespmem:s30+$0x4800];
	v2 =	vor.u32 v2, v3  }
0x5a: {  	v3 =	vld [tilespmem:s30+$0x810];
	v1 =	vand.u32 $0xFFFF, v1;
	[tilespmem:s29+$0x8850] =	vst v2;
	v2 =	vand.u32 $0xFFFF0000, v4  }
0x5b: {  	v4 =	vld [tilespmem:s30+$0x4810];
	v1 =	vor.u32 v1, v2  }
0x5c: {  	v2 =	vld [tilespmem:s30+$0x820];
	[tilespmem:s29+$0x8860] =	vst v1  }
0x5d: {  	v0 =	vand.u32 $0xFFFF, v0;
	v1 =	vand.u32 $0xFFFF0000, v7;
	v7 =	vld [tilespmem:s30+$0x4820]  }
0x5e: {  	v6 =	vand.u32 $0xFFFF, v6;
	v0 =	vor.u32 v0, v1;
	v1 =	vld [tilespmem:s30+$0x830];
	v5 =	vand.u32 $0xFFFF0000, v5  }
0x5f: {  	[tilespmem:s30+$0x8870] =	vst v0;
	v0 =	vor.u32 v6, v5;
	v5 =	vld [tilespmem:s30+$0x4830]  }
0x60: {  	v6 =	vld [tilespmem:s30+$0x850]  }
0x61: {  	[tilespmem:s30+$0x8800] =	vst v0;
	v0 =	vand.u32 $0xFFFF, v3;
	v3 =	vand.u32 $0xFFFF0000, v4;
	v4 =	vld [tilespmem:s30+$0x840]  }
0x62: {  	v0 =	vor.u32 v0, v3;
	v3 =	vld [tilespmem:s30+$0x4840]  }
0x63: {  	[tilespmem:s30+$0x8810] =	vst v0;
	v0 =	vand.u32 $0xFFFF, v2;
	v2 =	vand.u32 $0xFFFF0000, v7;
	v7 =	vld [tilespmem:s30+$0x4860]  }
0x64: {  	v0 =	vor.u32 v0, v2;
	v2 =	vld [tilespmem:s30+$0x4850]  }
0x65: {  	[tilespmem:s30+$0x8820] =	vst v0;
	v0 =	vld [tilespmem:s30+$0x860];
	_ =	sdelay $0x1  }
0x66: {  	v1 =	vand.u32 $0xFFFF, v1;
	v5 =	vand.u32 $0xFFFF0000, v5  }
0x67: {  	v1 =	vor.u32 v1, v5;
	v4 =	vand.u32 $0xFFFF, v4;
	v3 =	vand.u32 $0xFFFF0000, v3  }
0x68: {  	s0 =	sshll.u32 s28, $0xE;
	[tilespmem:s30+$0x8830] =	vst v1;
	v1 =	vor.u32 v4, v3;
	v3 =	vand.u32 $0xFFFF, v6;
	v2 =	vand.u32 $0xFFFF0000, v2  }
0x69: {  	s0 =	sadd.s32 s10, s0;
	[tilespmem:s30+$0x8840] =	vst v1;
	v1 =	vor.u32 v3, v2;
	v0 =	vand.u32 $0xFFFF, v0;
	v2 =	vand.u32 $0xFFFF0000, v7  }
0x6a: {  	s0 =	sshrl.u32 s0, $0x3;
	[tilespmem:s30+$0x8850] =	vst v1;
	v0 =	vor.u32 v0, v2  }
0x6b: {  	s1 =	simm.s32 $0x0;
	s0 =	sadd.s32 s6, s0;
	[tilespmem:s30+$0x8860] =	vst v0  }
0x6c: {  	[hbm4b:s0+s1] =	stream.linear.scatter [tilespmem:s22], [sflag:$0x5], $0x2000, $0x38;
	[tilespmem:$0x1E800] =	vst v63  }
0x6d: {  	_ =	swait.ge [sflag:s23], $0x2000  }
0x6e: {  	[sflag:s23] =	ssyncset.done $0x0  }
0x6f: {  	[sflag:s23] =	ssyncadd.s32 $0xFFFFE000  }
0x70: {  	_ =	swait.ge [sflag:s24], $0x2000  }
0x71: {  	[sflag:s24] =	ssyncset.done $0x0  }
0x72: {  	[sflag:s24] =	ssyncadd.s32 $0xFFFFE000  }
0x73: {  	_ =	swait.ge [sflag:s25], $0x2000  }
0x74: {  	[sflag:s25] =	ssyncset.done $0x0  }
0x75: {  	s29 =	simm.s32 $0x0;
	[sflag:s25] =	ssyncadd.s32 $0xFFFFE000  }
0x76: {  	v0 =	vld [tilespmem:s29+$0x2870]  }
0x77: {  	v1 =	vld [tilespmem:s29+$0x6870]  }
0x78: {  	v2 =	vld [tilespmem:s29+$0x2800]  }
0x79: {  	v3 =	vld [tilespmem:s29+$0x6800]  }
0x7a: {  	v4 =	vld [tilespmem:s29+$0x2810]  }
0x7b: {  	v5 =	vld [tilespmem:s29+$0x6810]  }
0x7c: {  	v6 =	vld [tilespmem:s29+$0x2820]  }
0x7d: {  	v7 =	vld [tilespmem:s29+$0x6820];
	v0 =	vand.u32 $0xFFFF, v0;
	v1 =	vand.u32 $0xFFFF0000, v1  }
0x7e: {  	v8 =	vld [tilespmem:s29+$0x2830];
	v0 =	vor.u32 v0, v1;
	v1 =	vand.u32 $0xFFFF, v2;
	v2 =	vand.u32 $0xFFFF0000, v3  }
0x7f: {  	v9 =	vld [tilespmem:s29+$0x6830];
	[tilespmem:s29+$0x8870] =	vst v0;
	v0 =	vor.u32 v1, v2  }
0x80: {  	v10 =	vld [tilespmem:s29+$0x6840];
	v1 =	vand.u32 $0xFFFF0000, v5;
	[tilespmem:s29+$0x8800] =	vst v0;
	v0 =	vand.u32 $0xFFFF, v4  }
0x81: {  	v5 =	vld [tilespmem:s29+$0x2840];
	v0 =	vor.u32 v0, v1  }
0x82: {  	v2 =	vld [tilespmem:s29+$0x2850];
	v1 =	vand.u32 $0xFFFF0000, v7;
	[tilespmem:s29+$0x8810] =	vst v0;
	v0 =	vand.u32 $0xFFFF, v6  }
0x83: {  	v3 =	vld [tilespmem:s29+$0x6850];
	v0 =	vor.u32 v0, v1  }
0x84: {  	v6 =	vand.u32 $0xFFFF0000, v9;
	v1 =	vld [tilespmem:s29+$0x2860];
	[tilespmem:s29+$0x8820] =	vst v0;
	v0 =	vand.u32 $0xFFFF, v8  }
0x85: {  	s30 =	simm.s32 $0x80;
	v4 =	vld [tilespmem:s29+$0x6860];
	v6 =	vor.u32 v0, v6  }
0x86: {  	s31 =	simm.s32 $0x400;
	v5 =	vand.u32 $0xFFFF, v5;
	v0 =	vld [tilespmem:s30+$0x2870];
	[tilespmem:s29+$0x8830] =	vst v6;
	v6 =	vand.u32 $0xFFFF0000, v10  }
.LBB2_5:
0x87: {  	p0 =	sne.s32 s31, $0x7E00;
	v7 =	vld [tilespmem:s30+$0x6870];
	v5 =	vor.u32 v5, v6;
	v2 =	vand.u32 $0xFFFF, v2  }
0x88: {  	v6 =	vld [tilespmem:s30+$0x2800];
	[tilespmem:s29+$0x8840] =	vst v5;
	v3 =	vand.u32 $0xFFFF0000, v3  }
0x89: {  	v5 =	vld [tilespmem:s30+$0x6800];
	v2 =	vor.u32 v2, v3;
	v1 =	vand.u32 $0xFFFF, v1  }
0x8a: {  	v3 =	vld [tilespmem:s30+$0x2810];
	[tilespmem:s29+$0x8850] =	vst v2;
	v2 =	vand.u32 $0xFFFF0000, v4  }
0x8b: {  	v4 =	vld [tilespmem:s30+$0x6810];
	v1 =	vor.u32 v1, v2  }
0x8c: {  	v0 =	vand.u32 $0xFFFF, v0;
	v2 =	vld [tilespmem:s30+$0x2820];
	v7 =	vand.u32 $0xFFFF0000, v7;
	[tilespmem:s29+$0x8860] =	vst v1;
	s29 =	smov.u32 s30  }
0x8d: {  	v1 =	vand.u32 $0xFFFF, v6;
	v6 =	vld [tilespmem:s29+$0x6820];
	v0 =	vor.u32 v0, v7  }
0x8e: {  	v5 =	vand.u32 $0xFFFF0000, v5;
	v7 =	vld [tilespmem:s29+$0x2830];
	[tilespmem:s29+$0x8870] =	vst v0  }
0x8f: {  	v0 =	vor.u32 v1, v5;
	v1 =	vand.u32 $0xFFFF, v3;
	v5 =	vld [tilespmem:s29+$0x6830]  }
0x90: {  	[tilespmem:s29+$0x8800] =	vst v0;
	v0 =	vand.u32 $0xFFFF0000, v4;
	v4 =	vld [tilespmem:s29+$0x2840]  }
0x91: {  	v0 =	vor.u32 v1, v0;
	v1 =	vand.u32 $0xFFFF, v2;
	v8 =	vld [tilespmem:s29+$0x6840]  }
.Ltmp1:
0x92: {  	[tilespmem:s29+$0x8810] =	vst v0;
	v0 =	vand.u32 $0xFFFF0000, v6;
	v2 =	vld [tilespmem:s29+$0x2850];
	(pc) =	sbr.rel @p0 .LBB2_5-.Ltmp1, $4  }
0x93: {  	v0 =	vor.u32 v1, v0;
	v6 =	vand.u32 $0xFFFF, v7;
	v3 =	vld [tilespmem:s29+$0x6850]  }
0x94: {  	[tilespmem:s29+$0x8820] =	vst v0;
	v0 =	vand.u32 $0xFFFF0000, v5;
	v1 =	vld [tilespmem:s29+$0x2860]  }
0x95: {  	s30 =	sshra.s32 s31, $0x2;
	v6 =	vor.u32 v6, v0;
	v5 =	vand.u32 $0xFFFF, v4;
	v4 =	vld [tilespmem:s29+$0x6860]  }
0x96: {  	s31 =	sadd.s32 $0x200, s31;
	v0 =	vld [tilespmem:s30+$0x2870];
	[tilespmem:s29+$0x8830] =	vst v6;
	v6 =	vand.u32 $0xFFFF0000, v8  }
0x97: {  	v7 =	vld [tilespmem:s30+$0x6870];
	v5 =	vor.u32 v5, v6  }
0x98: {  	v40 =	vld [tilespmem:s30+$0x2800];
	v2 =	vand.u32 $0xFFFF, v2;
	[tilespmem:s29+$0x8840] =	vst v5;
	v3 =	vand.u32 $0xFFFF0000, v3  }
0x99: {  	v5 =	vld [tilespmem:s30+$0x6800];
	v2 =	vor.u32 v2, v3  }
0x9a: {  	v41 =	vld [tilespmem:s30+$0x2810];
	v1 =	vand.u32 $0xFFFF, v1;
	[tilespmem:s29+$0x8850] =	vst v2;
	v42 =	vand.u32 $0xFFFF0000, v4  }
0x9b: {  	v43 =	vld [tilespmem:s30+$0x6810];
	v1 =	vor.u32 v1, v42  }
0x9c: {  	v44 =	vld [tilespmem:s30+$0x2820];
	[tilespmem:s29+$0x8860] =	vst v1  }
0x9d: {  	v46 =	vld [tilespmem:s30+$0x6820]  }
0x9e: {  	v47 =	vld [tilespmem:s30+$0x2830]  }
0x9f: {  	v49 =	vld [tilespmem:s30+$0x6830]  }
0xa0: {  	v52 =	vld [tilespmem:s30+$0x2840]  }
0xa1: {  	v53 =	vld [tilespmem:s30+$0x6840]  }
0xa2: {  	v56 =	vld [tilespmem:s30+$0x2850]  }
0xa3: {  	v0 =	vand.u32 $0xFFFF, v0;
	v45 =	vand.u32 $0xFFFF0000, v7;
	v57 =	vld [tilespmem:s30+$0x6850]  }
0xa4: {  	v6 =	vand.u32 $0xFFFF, v40;
	v0 =	vor.u32 v0, v45;
	v58 =	vld [tilespmem:s30+$0x2860];
	v5 =	vand.u32 $0xFFFF0000, v5  }
0xa5: {  	v59 =	vld [tilespmem:s30+$0x6860];
	[tilespmem:s30+$0x8870] =	vst v0;
	v50 =	vand.u32 $0xFFFF, v41;
	v48 =	vor.u32 v6, v5;
	v51 =	vand.u32 $0xFFFF0000, v43  }
0xa6: {  	[tilespmem:s30+$0x8800] =	vst v48;
	v54 =	vand.u32 $0xFFFF, v44;
	v0 =	vor.u32 v50, v51;
	v55 =	vand.u32 $0xFFFF0000, v46  }
0xa7: {  	s0 =	sshll.u32 s28, $0xB;
	s28 =	sadd.s32 $0x1, s28;
	[tilespmem:s30+$0x8810] =	vst v0;
	v1 =	vand.u32 $0xFFFF, v47;
	v5 =	vand.u32 $0xFFFF0000, v49;
	v0 =	vor.u32 v54, v55  }
0xa8: {  	p0 =	sne.s32 s28, $0x28;
	v4 =	vand.u32 $0xFFFF, v52;
	v3 =	vand.u32 $0xFFFF0000, v53;
	v1 =	vor.u32 v1, v5;
	[tilespmem:s30+$0x8820] =	vst v0  }
.Ltmp2:
0xa9: {  	v61 =	vand.u32 $0xFFFF, v56;
	v2 =	vand.u32 $0xFFFF0000, v57;
	v60 =	vor.u32 v4, v3;
	[tilespmem:s30+$0x8830] =	vst v1;
	(pc) =	sbr.rel @p0 .LBB2_2-.Ltmp2, $4  }
0xaa: {  	v63 =	vand.u32 $0xFFFF0000, v59;
	v62 =	vor.u32 v61, v2;
	[tilespmem:s30+$0x8840] =	vst v60;
	v0 =	vand.u32 $0xFFFF, v58  }
0xab: {  	[tilespmem:s30+$0x8850] =	vst v62;
	v0 =	vor.u32 v0, v63  }
0xac: {  	s0 =	sadd.s32 s12, s0;
	[tilespmem:s30+$0x8860] =	vst v0  }
0xad: {  	[hbm4b:s0+s4] =	stream.linear.scatter [tilespmem:s22], [sflag:$0x5], $0x2000, $0x38;
	[tilespmem:$0x1E800] =	vst v63  }
0xae: {  	s26 =	sadd.s32 $0x1, s26  }
0xaf: {  	p0 =	sne.s32 s26, s11  }
.Ltmp3:
0xb0: {  	_ = 	snop;
	(pc) =	sbr.rel @p0 .LBB2_1-.Ltmp3, $4  }
0xb1: {  	_ = 	snop  }
0xb2: {  	_ =	swait.ge [sflag:s25], $0x2000  }
0xb3: {  	[sflag:s25] =	ssyncset.done $0x0  }
0xb4: {  	[sflag:s25] =	ssyncadd.s32 $0xFFFFE000  }
0xb5: {  	_ =	sfence.sel $0x180000  }
0xb6: {  	[bflag:$0x0] =	sbarrier.arrive $0xFFFF  }
0xb7: {  	_ =	strace $0x90000047  }
0xb8: {  	s0 =	stileid.u32;
	[bflag:$0x2] =	sbarrier.arrive $0xFFFF  }
0xb9: {  	p0 =	sne.s32 s0, $0x0;
	s0 =	rddreg [dreg:$0x3]  }
0xba: {  	s0 =	sadd.s32 @!p0 $0x100000, s0  }
0xbb: {  	[sflag:s0] =	ssyncadd.tile.s32 @!p0 $0x1;
	_ =	shalt  }
.Lfunc_end2:
_tile_overlayer_lowered:
.L_overlay_start_2:
0xbc: {  	(tag) =	ssettag $0x2  }
0xbd: {  	s0 =	rddreg [dreg:$0x0];
	s2 =	stileid.u32  }
0xbe: {  	s1 =	rddreg [dreg:$0x1];
	p0 =	sne.s32 s2, $0x0  }
0xbf: {  	s3 =	rddreg [dreg:$0x2];
	[bflag:$0x3] =	sbarrier.arrive $0xFFFF;
	s2 =	simm.s32 @!p0 $0x1C06  }
0xc0: {  	[timem:s3], [sflag:s2] =	dma.local @!p0 [hbm:s0], s1  }
0xc1: {  	s0 =	simm.s32 @!p0 $0x6  }
0xc2: {  	_ =	swait.ge @!p0 [sflag:s0], s1  }
0xc3: {  	s1 =	ssub.s32 @!p0 $0x0, s1;
	[sflag:s0] =	ssyncset.done @!p0 $0x0  }
0xc4: {  	[sflag:s0] =	ssyncadd.s32 @!p0 s1  }
0xc5: {  	[bflag:$0x3] =	sbarrier.arrive $0xFFFF  }
0xc6: {  	_ =	shalt  }

</sc_bundles>
